<compile_context>
chip_gen: v7x
topology: tpu7x:2x2x1
jax: 0.10.2.dev20260603
libtpu: 0.0.44.dev20260713+nightly
codegen_flags: <defaults>
</compile_context>

<pallas_src>
import functools

import jax
import jax.numpy as jnp
from jax import lax
from jax.experimental import pallas as pl
from jax.experimental.pallas import tpu as pltpu
from jax.experimental.pallas import tpu_sc as plsc

DIM = 256
KCODES = 8192
BN = 128
_CHUNKS = (0, 2736, 5472, KCODES)
_TK = 256


def _row_norm(v):
    xx = v * v
    p = xx[:, :128] + xx[:, 128:]
    acc = p[:, 0:8]
    for g in range(1, 16):
        acc = acc + p[:, 8 * g : 8 * (g + 1)]
    a = acc[:, 0:4] + acc[:, 4:8]
    b = a[:, 0:2] + a[:, 2:4]
    return b[:, 0:1] + b[:, 1:2]


def _e2_body(e_ref, o_ref):
    o_ref[0, 0, :] = _row_norm(e_ref[...])[:, 0]


_BE = 512


def _code_norms(embed):
    nb = KCODES // _BE
    e2 = pl.pallas_call(
        _e2_body,
        grid=(nb,),
        in_specs=[pl.BlockSpec((_BE, DIM), lambda i: (i, 0))],
        out_specs=pl.BlockSpec((1, 1, _BE), lambda i: (i, 0, 0)),
        out_shape=jax.ShapeDtypeStruct((nb, 1, _BE), jnp.float32),
    )(embed)
    return e2.reshape(KCODES)


def _argmin_body(x_ref, eb_ref, e2_ref, idx_ref):
    xraw = x_ref[...]
    x2 = _row_norm(xraw)
    xb2 = (2.0 * xraw).astype(jnp.bfloat16)

    acc_v = None
    acc_i = None
    for lo, hi in zip(_CHUNKS[:-1], _CHUNKS[1:]):
        dot2 = lax.dot_general(
            xb2,
            eb_ref[lo:hi, :],
            (((1,), (1,)), ((), ())),
            preferred_element_type=jnp.float32,
        )
        s = (x2 - dot2) + e2_ref[lo:hi][None, :]
        m = jnp.min(s, axis=1)
        i = jnp.argmin(s, axis=1).astype(jnp.int32) + lo
        if acc_v is None:
            acc_v = m.astype(jnp.bfloat16).astype(jnp.float32)
            acc_i = i
        else:
            upd = m < acc_v
            acc_v = jnp.where(upd, m.astype(jnp.bfloat16).astype(jnp.float32), acc_v)
            acc_i = jnp.where(upd, i, acc_i)
    idx_ref[0, 0, :] = acc_i.astype(jnp.int32)


def _nearest_code(flat, embed):
    n = flat.shape[0]
    nb = n // BN
    e2 = _code_norms(embed)
    embed_bf16 = embed.astype(jnp.bfloat16)
    idx3 = pl.pallas_call(
        _argmin_body,
        grid=(nb,),
        in_specs=[
            pl.BlockSpec((BN, DIM), lambda i: (i, 0)),
            pl.BlockSpec((KCODES, DIM), lambda i: (0, 0)),
            pl.BlockSpec((KCODES,), lambda i: (0,)),
        ],
        out_specs=pl.BlockSpec((1, 1, BN), lambda i: (i, 0, 0)),
        out_shape=jax.ShapeDtypeStruct((nb, 1, BN), jnp.int32),
    )(flat, embed_bf16, e2)
    return idx3.reshape(nb, BN)


def _gather_rows(embed, idx2d):
    info = plsc.get_sparse_core_info()
    nw = info.num_cores * info.num_subcores
    nrow, ch = idx2d.shape
    rows_per_w = nrow // nw
    b = nrow * ch
    mesh = plsc.VectorSubcoreMesh(core_axis_name="c", subcore_axis_name="s")

    @functools.partial(
        pl.kernel,
        mesh=mesh,
        out_type=jax.ShapeDtypeStruct((b, DIM), jnp.float32),
        scratch_types=[
            pltpu.VMEM((ch,), jnp.int32),
            pltpu.VMEM((ch, DIM), jnp.float32),
            pltpu.SemaphoreType.DMA,
        ],
    )
    def k(table_hbm, idx_hbm, out_hbm, idx_v, rows_v, sem):
        wid = lax.axis_index("s") * info.num_cores + lax.axis_index("c")
        for j in range(rows_per_w):
            r = wid * rows_per_w + j
            pltpu.sync_copy(idx_hbm.at[r], idx_v)
            pltpu.async_copy(table_hbm.at[idx_v], rows_v, sem).wait()
            pltpu.sync_copy(rows_v, out_hbm.at[pl.ds(r * ch, ch)])

    return k(embed, idx2d)


def kernel(x, embed):
    shape = x.shape
    flat = x.reshape(-1, shape[-1])
    idx2d = _nearest_code(flat, embed)
    quantize = _gather_rows(embed, idx2d)
    return quantize.reshape(shape), idx2d.reshape(shape[:-1])

# --- scband reference (transcript-rebuilt; emitter-appended) ---
"""Pipeline reference for scband-euclidean-codebook-43748536877160 (READ-ONLY COPY).

The authoritative reference and input builder live on the scoring server;
editing this copy changes nothing except your own understanding.
"""

import jax, jax.numpy as jnp
import numpy as np

DIM = 256
CODEBOOK_SIZE = 8192

def setup_inputs(seed: int = 0) -> dict:
    key = jax.random.key(seed)
    k1, k2 = jax.random.split(key)
    x = jax.random.normal(k1, (16, 1024, DIM), dtype=jnp.float32)
    # kaiming_uniform_ with a=sqrt(5) on (K, dim): bound = sqrt(1/fan_in)
    bound = float(np.sqrt(1.0 / DIM))
    embed = jax.random.uniform(k2, (CODEBOOK_SIZE, DIM), dtype=jnp.float32, minval=-bound, maxval=bound)
    return {"x": x, "embed": embed}

def reference(x, embed):
    # EuclideanCodebook.forward (eval mode, c=0 Euclidean path, EMA codebook buffer)
    shape = x.shape
    flat = x.reshape(-1, shape[-1])  # preprocess: (..., d) -> (N, d)
    # quantize: dist = -(||x||^2 - 2 x e^T + ||e||^2); argmax over codes
    x2 = jnp.sum(flat * flat, axis=1, keepdims=True)
    e2 = jnp.sum(embed * embed, axis=1)
    dist = -(x2 - 2.0 * (flat @ embed.T) + e2[None, :])
    embed_ind = jnp.argmax(dist, axis=-1)
    # postprocess: reshape indices back to input batch shape
    embed_ind = embed_ind.reshape(shape[:-1])
    # dequantize: F.embedding(embed_ind, embed)
    quantize = jnp.take(embed, embed_ind, axis=0)
    return quantize, embed_ind

if __name__ == "__main__":
    import jax
    _d = setup_inputs()
    print(jax.jit(kernel)(*tuple(_d.values())))

</pallas_src>

<mosaic_0001>
#map = affine_map<(d0, d1) -> (0, 0)>
module attributes {stable_mosaic.version = 14 : i64} {
  func.func @k(%arg0: i32, %arg1: i32, %arg2: memref<8192x256xf32, #tpu.memory_space<hbm>>, %arg3: memref<128x128xi32, #tpu.memory_space<hbm>>, %arg4: memref<16384x256xf32, #tpu.memory_space<hbm>>, %arg5: memref<128xi32, #tpu.memory_space<vmem>>, %arg6: memref<128x256xf32, #tpu.memory_space<vmem>>, %arg7: memref<!tpu.dma_semaphore, #tpu.memory_space<semaphore_mem>>) attributes {dimension_semantics = [#tpu.dimension_semantics<core_parallel>, #tpu.dimension_semantics<subcore_parallel>], iteration_bounds = array<i64: 2, 16>, scalar_prefetch = 0 : i64, scratch_operands = 3 : i64, tpu.core_type = #tpu.core_type<sc_vector_subcore>, window_params = [{transform_indices = #map}, {transform_indices = #map}, {transform_indices = #map}]} {
    %mul3A = arith.constant 2 : i32
    %mul3A_0 = arith.muli %arg1, %mul3A : i32
    %add3A = arith.addi %mul3A_0, %arg0 : i32
    %mul3A_1 = arith.constant 4 : i32
    %mul3A_2 = arith.muli %add3A, %mul3A_1 : i32
    %add3A_3 = arith.constant 0 : i32
    %add3A_4 = arith.addi %mul3A_2, %add3A_3 : i32
    "tpu.region"() ({
      %run_scoped3A = tpu.sem_alloc : memref<!tpu.dma_semaphore, #tpu.memory_space<semaphore_mem>>
      %dma_start3A_47 = arith.constant 0 : i32
      %dma_start3A_48 = tpu.memref_slice %arg3[%add3A_4, %dma_start3A_47] : memref<128x128xi32, #tpu.memory_space<hbm>> -> memref<1x128xi32, #tpu.memory_space<hbm>>
      %dma_start3A_49 = tpu.memref_squeeze %dma_start3A_48 : memref<1x128xi32, #tpu.memory_space<hbm>> -> memref<128xi32, #tpu.memory_space<hbm>>
      %dma_start3A_50 = arith.constant 0 : i32
      %dma_start3A_51 = tpu.memref_slice %arg3[%add3A_4, %dma_start3A_50] : memref<128x128xi32, #tpu.memory_space<hbm>> -> memref<1x128xi32, #tpu.memory_space<hbm>>
      %dma_start3A_52 = tpu.memref_squeeze %dma_start3A_51 : memref<1x128xi32, #tpu.memory_space<hbm>> -> memref<128xi32, #tpu.memory_space<hbm>>
      tpu.enqueue_dma source(%dma_start3A_52 : memref<128xi32, #tpu.memory_space<hbm>>) target(%arg5 : memref<128xi32, #tpu.memory_space<vmem>>) target_semaphore(%run_scoped3A : memref<!tpu.dma_semaphore, #tpu.memory_space<semaphore_mem>>)
      %dma_wait3A_53 = arith.constant 0 : i32
      %dma_wait3A_54 = tpu.memref_slice %arg3[%add3A_4, %dma_wait3A_53] : memref<128x128xi32, #tpu.memory_space<hbm>> -> memref<1x128xi32, #tpu.memory_space<hbm>>
      %dma_wait3A_55 = tpu.memref_squeeze %dma_wait3A_54 : memref<1x128xi32, #tpu.memory_space<hbm>> -> memref<128xi32, #tpu.memory_space<hbm>>
      %dma_wait3A_56 = arith.constant 0 : i32
      %dma_wait3A_57 = tpu.memref_slice %arg3[%add3A_4, %dma_wait3A_56] : memref<128x128xi32, #tpu.memory_space<hbm>> -> memref<1x128xi32, #tpu.memory_space<hbm>>
      %dma_wait3A_58 = tpu.memref_squeeze %dma_wait3A_57 : memref<1x128xi32, #tpu.memory_space<hbm>> -> memref<128xi32, #tpu.memory_space<hbm>>
      tpu.wait_dma2 semaphore(%run_scoped3A : memref<!tpu.dma_semaphore, #tpu.memory_space<semaphore_mem>>) src(%dma_wait3A_58 : memref<128xi32, #tpu.memory_space<hbm>>) dst(%arg5 : memref<128xi32, #tpu.memory_space<vmem>>)
      tpu.yield
    }) : () -> ()
    %dma_start3A = arith.constant 0 : i32
    %dma_start3A_5 = arith.constant 0 : i32
    %dma_start3A_6 = tpu.memref_slice %arg2[%dma_start3A, %dma_start3A_5] : memref<8192x256xf32, #tpu.memory_space<hbm>> -> memref<8192x256xf32, #tpu.memory_space<hbm>>
    tpu.enqueue_indirect_dma source(%dma_start3A_6 : memref<8192x256xf32, #tpu.memory_space<hbm>>) target(%arg6 : memref<128x256xf32, #tpu.memory_space<vmem>>) offsets(%arg5 : memref<128xi32, #tpu.memory_space<vmem>>) semaphore(%arg7 : memref<!tpu.dma_semaphore, #tpu.memory_space<semaphore_mem>>)
    %dma_wait3A = arith.constant 0 : i32
    %dma_wait3A_7 = arith.constant 0 : i32
    %dma_wait3A_8 = tpu.memref_slice %arg2[%dma_wait3A, %dma_wait3A_7] : memref<8192x256xf32, #tpu.memory_space<hbm>> -> memref<8192x256xf32, #tpu.memory_space<hbm>>
    tpu.wait_indirect_dma semaphore(%arg7 : memref<!tpu.dma_semaphore, #tpu.memory_space<semaphore_mem>>) src(%dma_wait3A_8 : memref<8192x256xf32, #tpu.memory_space<hbm>>) dst(%arg6 : memref<128x256xf32, #tpu.memory_space<vmem>>)
    %mul3A_9 = arith.constant 128 : i32
    %mul3A_10 = arith.muli %add3A_4, %mul3A_9 : i32
    "tpu.region"() ({
      %run_scoped3A = tpu.sem_alloc : memref<!tpu.dma_semaphore, #tpu.memory_space<semaphore_mem>>
      %dma_start3A_47 = arith.constant 0 : i32
      %dma_start3A_48 = tpu.memref_slice %arg4[%mul3A_10, %dma_start3A_47] : memref<16384x256xf32, #tpu.memory_space<hbm>> -> memref<128x256xf32, #tpu.memory_space<hbm>>
      %dma_start3A_49 = arith.constant 0 : i32
      %dma_start3A_50 = tpu.memref_slice %arg4[%mul3A_10, %dma_start3A_49] : memref<16384x256xf32, #tpu.memory_space<hbm>> -> memref<128x256xf32, #tpu.memory_space<hbm>>
      tpu.enqueue_dma source(%arg6 : memref<128x256xf32, #tpu.memory_space<vmem>>) target(%dma_start3A_50 : memref<128x256xf32, #tpu.memory_space<hbm>>) target_semaphore(%run_scoped3A : memref<!tpu.dma_semaphore, #tpu.memory_space<semaphore_mem>>)
      %dma_wait3A_51 = arith.constant 0 : i32
      %dma_wait3A_52 = tpu.memref_slice %arg4[%mul3A_10, %dma_wait3A_51] : memref<16384x256xf32, #tpu.memory_space<hbm>> -> memref<128x256xf32, #tpu.memory_space<hbm>>
      %dma_wait3A_53 = arith.constant 0 : i32
      %dma_wait3A_54 = tpu.memref_slice %arg4[%mul3A_10, %dma_wait3A_53] : memref<16384x256xf32, #tpu.memory_space<hbm>> -> memref<128x256xf32, #tpu.memory_space<hbm>>
      tpu.wait_dma2 semaphore(%run_scoped3A : memref<!tpu.dma_semaphore, #tpu.memory_space<semaphore_mem>>) src(%arg6 : memref<128x256xf32, #tpu.memory_space<vmem>>) dst(%dma_wait3A_54 : memref<128x256xf32, #tpu.memory_space<hbm>>)
      tpu.yield
    }) : () -> ()
    %mul3A_11 = arith.constant 4 : i32
    %mul3A_12 = arith.muli %add3A, %mul3A_11 : i32
    %add3A_13 = arith.constant 1 : i32
    %add3A_14 = arith.addi %mul3A_12, %add3A_13 : i32
    "tpu.region"() ({
      %run_scoped3A = tpu.sem_alloc : memref<!tpu.dma_semaphore, #tpu.memory_space<semaphore_mem>>
      %dma_start3A_47 = arith.constant 0 : i32
      %dma_start3A_48 = tpu.memref_slice %arg3[%add3A_14, %dma_start3A_47] : memref<128x128xi32, #tpu.memory_space<hbm>> -> memref<1x128xi32, #tpu.memory_space<hbm>>
      %dma_start3A_49 = tpu.memref_squeeze %dma_start3A_48 : memref<1x128xi32, #tpu.memory_space<hbm>> -> memref<128xi32, #tpu.memory_space<hbm>>
      %dma_start3A_50 = arith.constant 0 : i32
      %dma_start3A_51 = tpu.memref_slice %arg3[%add3A_14, %dma_start3A_50] : memref<128x128xi32, #tpu.memory_space<hbm>> -> memref<1x128xi32, #tpu.memory_space<hbm>>
      %dma_start3A_52 = tpu.memref_squeeze %dma_start3A_51 : memref<1x128xi32, #tpu.memory_space<hbm>> -> memref<128xi32, #tpu.memory_space<hbm>>
      tpu.enqueue_dma source(%dma_start3A_52 : memref<128xi32, #tpu.memory_space<hbm>>) target(%arg5 : memref<128xi32, #tpu.memory_space<vmem>>) target_semaphore(%run_scoped3A : memref<!tpu.dma_semaphore, #tpu.memory_space<semaphore_mem>>)
      %dma_wait3A_53 = arith.constant 0 : i32
      %dma_wait3A_54 = tpu.memref_slice %arg3[%add3A_14, %dma_wait3A_53] : memref<128x128xi32, #tpu.memory_space<hbm>> -> memref<1x128xi32, #tpu.memory_space<hbm>>
      %dma_wait3A_55 = tpu.memref_squeeze %dma_wait3A_54 : memref<1x128xi32, #tpu.memory_space<hbm>> -> memref<128xi32, #tpu.memory_space<hbm>>
      %dma_wait3A_56 = arith.constant 0 : i32
      %dma_wait3A_57 = tpu.memref_slice %arg3[%add3A_14, %dma_wait3A_56] : memref<128x128xi32, #tpu.memory_space<hbm>> -> memref<1x128xi32, #tpu.memory_space<hbm>>
      %dma_wait3A_58 = tpu.memref_squeeze %dma_wait3A_57 : memref<1x128xi32, #tpu.memory_space<hbm>> -> memref<128xi32, #tpu.memory_space<hbm>>
      tpu.wait_dma2 semaphore(%run_scoped3A : memref<!tpu.dma_semaphore, #tpu.memory_space<semaphore_mem>>) src(%dma_wait3A_58 : memref<128xi32, #tpu.memory_space<hbm>>) dst(%arg5 : memref<128xi32, #tpu.memory_space<vmem>>)
      tpu.yield
    }) : () -> ()
    %dma_start3A_15 = arith.constant 0 : i32
    %dma_start3A_16 = arith.constant 0 : i32
    %dma_start3A_17 = tpu.memref_slice %arg2[%dma_start3A_15, %dma_start3A_16] : memref<8192x256xf32, #tpu.memory_space<hbm>> -> memref<8192x256xf32, #tpu.memory_space<hbm>>
    tpu.enqueue_indirect_dma source(%dma_start3A_17 : memref<8192x256xf32, #tpu.memory_space<hbm>>) target(%arg6 : memref<128x256xf32, #tpu.memory_space<vmem>>) offsets(%arg5 : memref<128xi32, #tpu.memory_space<vmem>>) semaphore(%arg7 : memref<!tpu.dma_semaphore, #tpu.memory_space<semaphore_mem>>)
    %dma_wait3A_18 = arith.constant 0 : i32
    %dma_wait3A_19 = arith.constant 0 : i32
    %dma_wait3A_20 = tpu.memref_slice %arg2[%dma_wait3A_18, %dma_wait3A_19] : memref<8192x256xf32, #tpu.memory_space<hbm>> -> memref<8192x256xf32, #tpu.memory_space<hbm>>
    tpu.wait_indirect_dma semaphore(%arg7 : memref<!tpu.dma_semaphore, #tpu.memory_space<semaphore_mem>>) src(%dma_wait3A_20 : memref<8192x256xf32, #tpu.memory_space<hbm>>) dst(%arg6 : memref<128x256xf32, #tpu.memory_space<vmem>>)
    %mul3A_21 = arith.constant 128 : i32
    %mul3A_22 = arith.muli %add3A_14, %mul3A_21 : i32
    "tpu.region"() ({
      %run_scoped3A = tpu.sem_alloc : memref<!tpu.dma_semaphore, #tpu.memory_space<semaphore_mem>>
      %dma_start3A_47 = arith.constant 0 : i32
      %dma_start3A_48 = tpu.memref_slice %arg4[%mul3A_22, %dma_start3A_47] : memref<16384x256xf32, #tpu.memory_space<hbm>> -> memref<128x256xf32, #tpu.memory_space<hbm>>
      %dma_start3A_49 = arith.constant 0 : i32
      %dma_start3A_50 = tpu.memref_slice %arg4[%mul3A_22, %dma_start3A_49] : memref<16384x256xf32, #tpu.memory_space<hbm>> -> memref<128x256xf32, #tpu.memory_space<hbm>>
      tpu.enqueue_dma source(%arg6 : memref<128x256xf32, #tpu.memory_space<vmem>>) target(%dma_start3A_50 : memref<128x256xf32, #tpu.memory_space<hbm>>) target_semaphore(%run_scoped3A : memref<!tpu.dma_semaphore, #tpu.memory_space<semaphore_mem>>)
      %dma_wait3A_51 = arith.constant 0 : i32
      %dma_wait3A_52 = tpu.memref_slice %arg4[%mul3A_22, %dma_wait3A_51] : memref<16384x256xf32, #tpu.memory_space<hbm>> -> memref<128x256xf32, #tpu.memory_space<hbm>>
      %dma_wait3A_53 = arith.constant 0 : i32
      %dma_wait3A_54 = tpu.memref_slice %arg4[%mul3A_22, %dma_wait3A_53] : memref<16384x256xf32, #tpu.memory_space<hbm>> -> memref<128x256xf32, #tpu.memory_space<hbm>>
      tpu.wait_dma2 semaphore(%run_scoped3A : memref<!tpu.dma_semaphore, #tpu.memory_space<semaphore_mem>>) src(%arg6 : memref<128x256xf32, #tpu.memory_space<vmem>>) dst(%dma_wait3A_54 : memref<128x256xf32, #tpu.memory_space<hbm>>)
      tpu.yield
    }) : () -> ()
    %mul3A_23 = arith.constant 4 : i32
    %mul3A_24 = arith.muli %add3A, %mul3A_23 : i32
    %add3A_25 = arith.constant 2 : i32
    %add3A_26 = arith.addi %mul3A_24, %add3A_25 : i32
    "tpu.region"() ({
      %run_scoped3A = tpu.sem_alloc : memref<!tpu.dma_semaphore, #tpu.memory_space<semaphore_mem>>
      %dma_start3A_47 = arith.constant 0 : i32
      %dma_start3A_48 = tpu.memref_slice %arg3[%add3A_26, %dma_start3A_47] : memref<128x128xi32, #tpu.memory_space<hbm>> -> memref<1x128xi32, #tpu.memory_space<hbm>>
      %dma_start3A_49 = tpu.memref_squeeze %dma_start3A_48 : memref<1x128xi32, #tpu.memory_space<hbm>> -> memref<128xi32, #tpu.memory_space<hbm>>
      %dma_start3A_50 = arith.constant 0 : i32
      %dma_start3A_51 = tpu.memref_slice %arg3[%add3A_26, %dma_start3A_50] : memref<128x128xi32, #tpu.memory_space<hbm>> -> memref<1x128xi32, #tpu.memory_space<hbm>>
      %dma_start3A_52 = tpu.memref_squeeze %dma_start3A_51 : memref<1x128xi32, #tpu.memory_space<hbm>> -> memref<128xi32, #tpu.memory_space<hbm>>
      tpu.enqueue_dma source(%dma_start3A_52 : memref<128xi32, #tpu.memory_space<hbm>>) target(%arg5 : memref<128xi32, #tpu.memory_space<vmem>>) target_semaphore(%run_scoped3A : memref<!tpu.dma_semaphore, #tpu.memory_space<semaphore_mem>>)
      %dma_wait3A_53 = arith.constant 0 : i32
      %dma_wait3A_54 = tpu.memref_slice %arg3[%add3A_26, %dma_wait3A_53] : memref<128x128xi32, #tpu.memory_space<hbm>> -> memref<1x128xi32, #tpu.memory_space<hbm>>
      %dma_wait3A_55 = tpu.memref_squeeze %dma_wait3A_54 : memref<1x128xi32, #tpu.memory_space<hbm>> -> memref<128xi32, #tpu.memory_space<hbm>>
      %dma_wait3A_56 = arith.constant 0 : i32
      %dma_wait3A_57 = tpu.memref_slice %arg3[%add3A_26, %dma_wait3A_56] : memref<128x128xi32, #tpu.memory_space<hbm>> -> memref<1x128xi32, #tpu.memory_space<hbm>>
      %dma_wait3A_58 = tpu.memref_squeeze %dma_wait3A_57 : memref<1x128xi32, #tpu.memory_space<hbm>> -> memref<128xi32, #tpu.memory_space<hbm>>
      tpu.wait_dma2 semaphore(%run_scoped3A : memref<!tpu.dma_semaphore, #tpu.memory_space<semaphore_mem>>) src(%dma_wait3A_58 : memref<128xi32, #tpu.memory_space<hbm>>) dst(%arg5 : memref<128xi32, #tpu.memory_space<vmem>>)
      tpu.yield
    }) : () -> ()
    %dma_start3A_27 = arith.constant 0 : i32
    %dma_start3A_28 = arith.constant 0 : i32
    %dma_start3A_29 = tpu.memref_slice %arg2[%dma_start3A_27, %dma_start3A_28] : memref<8192x256xf32, #tpu.memory_space<hbm>> -> memref<8192x256xf32, #tpu.memory_space<hbm>>
    tpu.enqueue_indirect_dma source(%dma_start3A_29 : memref<8192x256xf32, #tpu.memory_space<hbm>>) target(%arg6 : memref<128x256xf32, #tpu.memory_space<vmem>>) offsets(%arg5 : memref<128xi32, #tpu.memory_space<vmem>>) semaphore(%arg7 : memref<!tpu.dma_semaphore, #tpu.memory_space<semaphore_mem>>)
    %dma_wait3A_30 = arith.constant 0 : i32
    %dma_wait3A_31 = arith.constant 0 : i32
    %dma_wait3A_32 = tpu.memref_slice %arg2[%dma_wait3A_30, %dma_wait3A_31] : memref<8192x256xf32, #tpu.memory_space<hbm>> -> memref<8192x256xf32, #tpu.memory_space<hbm>>
    tpu.wait_indirect_dma semaphore(%arg7 : memref<!tpu.dma_semaphore, #tpu.memory_space<semaphore_mem>>) src(%dma_wait3A_32 : memref<8192x256xf32, #tpu.memory_space<hbm>>) dst(%arg6 : memref<128x256xf32, #tpu.memory_space<vmem>>)
    %mul3A_33 = arith.constant 128 : i32
    %mul3A_34 = arith.muli %add3A_26, %mul3A_33 : i32
    "tpu.region"() ({
      %run_scoped3A = tpu.sem_alloc : memref<!tpu.dma_semaphore, #tpu.memory_space<semaphore_mem>>
      %dma_start3A_47 = arith.constant 0 : i32
      %dma_start3A_48 = tpu.memref_slice %arg4[%mul3A_34, %dma_start3A_47] : memref<16384x256xf32, #tpu.memory_space<hbm>> -> memref<128x256xf32, #tpu.memory_space<hbm>>
      %dma_start3A_49 = arith.constant 0 : i32
      %dma_start3A_50 = tpu.memref_slice %arg4[%mul3A_34, %dma_start3A_49] : memref<16384x256xf32, #tpu.memory_space<hbm>> -> memref<128x256xf32, #tpu.memory_space<hbm>>
      tpu.enqueue_dma source(%arg6 : memref<128x256xf32, #tpu.memory_space<vmem>>) target(%dma_start3A_50 : memref<128x256xf32, #tpu.memory_space<hbm>>) target_semaphore(%run_scoped3A : memref<!tpu.dma_semaphore, #tpu.memory_space<semaphore_mem>>)
      %dma_wait3A_51 = arith.constant 0 : i32
      %dma_wait3A_52 = tpu.memref_slice %arg4[%mul3A_34, %dma_wait3A_51] : memref<16384x256xf32, #tpu.memory_space<hbm>> -> memref<128x256xf32, #tpu.memory_space<hbm>>
      %dma_wait3A_53 = arith.constant 0 : i32
      %dma_wait3A_54 = tpu.memref_slice %arg4[%mul3A_34, %dma_wait3A_53] : memref<16384x256xf32, #tpu.memory_space<hbm>> -> memref<128x256xf32, #tpu.memory_space<hbm>>
      tpu.wait_dma2 semaphore(%run_scoped3A : memref<!tpu.dma_semaphore, #tpu.memory_space<semaphore_mem>>) src(%arg6 : memref<128x256xf32, #tpu.memory_space<vmem>>) dst(%dma_wait3A_54 : memref<128x256xf32, #tpu.memory_space<hbm>>)
      tpu.yield
    }) : () -> ()
    %mul3A_35 = arith.constant 4 : i32
    %mul3A_36 = arith.muli %add3A, %mul3A_35 : i32
    %add3A_37 = arith.constant 3 : i32
    %add3A_38 = arith.addi %mul3A_36, %add3A_37 : i32
    "tpu.region"() ({
      %run_scoped3A = tpu.sem_alloc : memref<!tpu.dma_semaphore, #tpu.memory_space<semaphore_mem>>
      %dma_start3A_47 = arith.constant 0 : i32
      %dma_start3A_48 = tpu.memref_slice %arg3[%add3A_38, %dma_start3A_47] : memref<128x128xi32, #tpu.memory_space<hbm>> -> memref<1x128xi32, #tpu.memory_space<hbm>>
      %dma_start3A_49 = tpu.memref_squeeze %dma_start3A_48 : memref<1x128xi32, #tpu.memory_space<hbm>> -> memref<128xi32, #tpu.memory_space<hbm>>
      %dma_start3A_50 = arith.constant 0 : i32
      %dma_start3A_51 = tpu.memref_slice %arg3[%add3A_38, %dma_start3A_50] : memref<128x128xi32, #tpu.memory_space<hbm>> -> memref<1x128xi32, #tpu.memory_space<hbm>>
      %dma_start3A_52 = tpu.memref_squeeze %dma_start3A_51 : memref<1x128xi32, #tpu.memory_space<hbm>> -> memref<128xi32, #tpu.memory_space<hbm>>
      tpu.enqueue_dma source(%dma_start3A_52 : memref<128xi32, #tpu.memory_space<hbm>>) target(%arg5 : memref<128xi32, #tpu.memory_space<vmem>>) target_semaphore(%run_scoped3A : memref<!tpu.dma_semaphore, #tpu.memory_space<semaphore_mem>>)
      %dma_wait3A_53 = arith.constant 0 : i32
      %dma_wait3A_54 = tpu.memref_slice %arg3[%add3A_38, %dma_wait3A_53] : memref<128x128xi32, #tpu.memory_space<hbm>> -> memref<1x128xi32, #tpu.memory_space<hbm>>
      %dma_wait3A_55 = tpu.memref_squeeze %dma_wait3A_54 : memref<1x128xi32, #tpu.memory_space<hbm>> -> memref<128xi32, #tpu.memory_space<hbm>>
      %dma_wait3A_56 = arith.constant 0 : i32
      %dma_wait3A_57 = tpu.memref_slice %arg3[%add3A_38, %dma_wait3A_56] : memref<128x128xi32, #tpu.memory_space<hbm>> -> memref<1x128xi32, #tpu.memory_space<hbm>>
      %dma_wait3A_58 = tpu.memref_squeeze %dma_wait3A_57 : memref<1x128xi32, #tpu.memory_space<hbm>> -> memref<128xi32, #tpu.memory_space<hbm>>
      tpu.wait_dma2 semaphore(%run_scoped3A : memref<!tpu.dma_semaphore, #tpu.memory_space<semaphore_mem>>) src(%dma_wait3A_58 : memref<128xi32, #tpu.memory_space<hbm>>) dst(%arg5 : memref<128xi32, #tpu.memory_space<vmem>>)
      tpu.yield
    }) : () -> ()
    %dma_start3A_39 = arith.constant 0 : i32
    %dma_start3A_40 = arith.constant 0 : i32
    %dma_start3A_41 = tpu.memref_slice %arg2[%dma_start3A_39, %dma_start3A_40] : memref<8192x256xf32, #tpu.memory_space<hbm>> -> memref<8192x256xf32, #tpu.memory_space<hbm>>
    tpu.enqueue_indirect_dma source(%dma_start3A_41 : memref<8192x256xf32, #tpu.memory_space<hbm>>) target(%arg6 : memref<128x256xf32, #tpu.memory_space<vmem>>) offsets(%arg5 : memref<128xi32, #tpu.memory_space<vmem>>) semaphore(%arg7 : memref<!tpu.dma_semaphore, #tpu.memory_space<semaphore_mem>>)
    %dma_wait3A_42 = arith.constant 0 : i32
    %dma_wait3A_43 = arith.constant 0 : i32
    %dma_wait3A_44 = tpu.memref_slice %arg2[%dma_wait3A_42, %dma_wait3A_43] : memref<8192x256xf32, #tpu.memory_space<hbm>> -> memref<8192x256xf32, #tpu.memory_space<hbm>>
    tpu.wait_indirect_dma semaphore(%arg7 : memref<!tpu.dma_semaphore, #tpu.memory_space<semaphore_mem>>) src(%dma_wait3A_44 : memref<8192x256xf32, #tpu.memory_space<hbm>>) dst(%arg6 : memref<128x256xf32, #tpu.memory_space<vmem>>)
    %mul3A_45 = arith.constant 128 : i32
    %mul3A_46 = arith.muli %add3A_38, %mul3A_45 : i32
    "tpu.region"() ({
      %run_scoped3A = tpu.sem_alloc : memref<!tpu.dma_semaphore, #tpu.memory_space<semaphore_mem>>
      %dma_start3A_47 = arith.constant 0 : i32
      %dma_start3A_48 = tpu.memref_slice %arg4[%mul3A_46, %dma_start3A_47] : memref<16384x256xf32, #tpu.memory_space<hbm>> -> memref<128x256xf32, #tpu.memory_space<hbm>>
      %dma_start3A_49 = arith.constant 0 : i32
      %dma_start3A_50 = tpu.memref_slice %arg4[%mul3A_46, %dma_start3A_49] : memref<16384x256xf32, #tpu.memory_space<hbm>> -> memref<128x256xf32, #tpu.memory_space<hbm>>
      tpu.enqueue_dma source(%arg6 : memref<128x256xf32, #tpu.memory_space<vmem>>) target(%dma_start3A_50 : memref<128x256xf32, #tpu.memory_space<hbm>>) target_semaphore(%run_scoped3A : memref<!tpu.dma_semaphore, #tpu.memory_space<semaphore_mem>>)
      %dma_wait3A_51 = arith.constant 0 : i32
      %dma_wait3A_52 = tpu.memref_slice %arg4[%mul3A_46, %dma_wait3A_51] : memref<16384x256xf32, #tpu.memory_space<hbm>> -> memref<128x256xf32, #tpu.memory_space<hbm>>
      %dma_wait3A_53 = arith.constant 0 : i32
      %dma_wait3A_54 = tpu.memref_slice %arg4[%mul3A_46, %dma_wait3A_53] : memref<16384x256xf32, #tpu.memory_space<hbm>> -> memref<128x256xf32, #tpu.memory_space<hbm>>
      tpu.wait_dma2 semaphore(%run_scoped3A : memref<!tpu.dma_semaphore, #tpu.memory_space<semaphore_mem>>) src(%arg6 : memref<128x256xf32, #tpu.memory_space<vmem>>) dst(%dma_wait3A_54 : memref<128x256xf32, #tpu.memory_space<hbm>>)
      tpu.yield
    }) : () -> ()
    return
  }
}

module attributes {stable_mosaic.version = 14 : i64} {
  func.func @_argmin_body(%arg0: i32, %arg1: memref<128x256xf32, #tpu.memory_space<vmem>>, %arg2: memref<8192x256xbf16, #tpu.memory_space<vmem>>, %arg3: memref<8192xf32, #tpu.memory_space<vmem>>, %arg4: memref<1x1x128xi32, #tpu.memory_space<vmem>>) attributes {dimension_semantics = [#tpu.dimension_semantics<arbitrary>], iteration_bounds = array<i64: 128>, scalar_prefetch = 0 : i64, scratch_operands = 0 : i64, tpu.core_type = #tpu.core_type<tc>, window_params = [{transform_indices = @transform_0, window_bounds = array<i64: 128, 256>}, {pipeline_mode = #tpu.pipeline_mode<synchronous>, transform_indices = @transform_1, window_bounds = array<i64: 8192, 256>}, {pipeline_mode = #tpu.pipeline_mode<synchronous>, transform_indices = @transform_2, window_bounds = array<i64: 8192>}, {transform_indices = @transform_3, window_bounds = array<i64: 1, 1, 128>}]} {
    %get3A = arith.constant 0 : index
    %get3A_0 = arith.constant 0 : index
    %get3A_1 = vector.load %arg1[%get3A, %get3A_0] : memref<128x256xf32, #tpu.memory_space<vmem>>, vector<128x256xf32>
    %mul3A = arith.mulf %get3A_1, %get3A_1 : vector<128x256xf32>
    %slice3A = vector.extract_strided_slice %mul3A {offsets = [0, 0], sizes = [128, 128], strides = [1, 1]} : vector<128x256xf32> to vector<128x128xf32>
    %slice3A_2 = vector.extract_strided_slice %mul3A {offsets = [0, 128], sizes = [128, 128], strides = [1, 1]} : vector<128x256xf32> to vector<128x128xf32>
    %add3A = arith.addf %slice3A, %slice3A_2 : vector<128x128xf32>
    %slice3A_3 = vector.extract_strided_slice %add3A {offsets = [0, 0], sizes = [128, 8], strides = [1, 1]} : vector<128x128xf32> to vector<128x8xf32>
    %slice3A_4 = vector.extract_strided_slice %add3A {offsets = [0, 8], sizes = [128, 8], strides = [1, 1]} : vector<128x128xf32> to vector<128x8xf32>
    %add3A_5 = arith.addf %slice3A_3, %slice3A_4 : vector<128x8xf32>
    %slice3A_6 = vector.extract_strided_slice %add3A {offsets = [0, 16], sizes = [128, 8], strides = [1, 1]} : vector<128x128xf32> to vector<128x8xf32>
    %add3A_7 = arith.addf %add3A_5, %slice3A_6 : vector<128x8xf32>
    %slice3A_8 = vector.extract_strided_slice %add3A {offsets = [0, 24], sizes = [128, 8], strides = [1, 1]} : vector<128x128xf32> to vector<128x8xf32>
    %add3A_9 = arith.addf %add3A_7, %slice3A_8 : vector<128x8xf32>
    %slice3A_10 = vector.extract_strided_slice %add3A {offsets = [0, 32], sizes = [128, 8], strides = [1, 1]} : vector<128x128xf32> to vector<128x8xf32>
    %add3A_11 = arith.addf %add3A_9, %slice3A_10 : vector<128x8xf32>
    %slice3A_12 = vector.extract_strided_slice %add3A {offsets = [0, 40], sizes = [128, 8], strides = [1, 1]} : vector<128x128xf32> to vector<128x8xf32>
    %add3A_13 = arith.addf %add3A_11, %slice3A_12 : vector<128x8xf32>
    %slice3A_14 = vector.extract_strided_slice %add3A {offsets = [0, 48], sizes = [128, 8], strides = [1, 1]} : vector<128x128xf32> to vector<128x8xf32>
    %add3A_15 = arith.addf %add3A_13, %slice3A_14 : vector<128x8xf32>
    %slice3A_16 = vector.extract_strided_slice %add3A {offsets = [0, 56], sizes = [128, 8], strides = [1, 1]} : vector<128x128xf32> to vector<128x8xf32>
    %add3A_17 = arith.addf %add3A_15, %slice3A_16 : vector<128x8xf32>
    %slice3A_18 = vector.extract_strided_slice %add3A {offsets = [0, 64], sizes = [128, 8], strides = [1, 1]} : vector<128x128xf32> to vector<128x8xf32>
    %add3A_19 = arith.addf %add3A_17, %slice3A_18 : vector<128x8xf32>
    %slice3A_20 = vector.extract_strided_slice %add3A {offsets = [0, 72], sizes = [128, 8], strides = [1, 1]} : vector<128x128xf32> to vector<128x8xf32>
    %add3A_21 = arith.addf %add3A_19, %slice3A_20 : vector<128x8xf32>
    %slice3A_22 = vector.extract_strided_slice %add3A {offsets = [0, 80], sizes = [128, 8], strides = [1, 1]} : vector<128x128xf32> to vector<128x8xf32>
    %add3A_23 = arith.addf %add3A_21, %slice3A_22 : vector<128x8xf32>
    %slice3A_24 = vector.extract_strided_slice %add3A {offsets = [0, 88], sizes = [128, 8], strides = [1, 1]} : vector<128x128xf32> to vector<128x8xf32>
    %add3A_25 = arith.addf %add3A_23, %slice3A_24 : vector<128x8xf32>
    %slice3A_26 = vector.extract_strided_slice %add3A {offsets = [0, 96], sizes = [128, 8], strides = [1, 1]} : vector<128x128xf32> to vector<128x8xf32>
    %add3A_27 = arith.addf %add3A_25, %slice3A_26 : vector<128x8xf32>
    %slice3A_28 = vector.extract_strided_slice %add3A {offsets = [0, 104], sizes = [128, 8], strides = [1, 1]} : vector<128x128xf32> to vector<128x8xf32>
    %add3A_29 = arith.addf %add3A_27, %slice3A_28 : vector<128x8xf32>
    %slice3A_30 = vector.extract_strided_slice %add3A {offsets = [0, 112], sizes = [128, 8], strides = [1, 1]} : vector<128x128xf32> to vector<128x8xf32>
    %add3A_31 = arith.addf %add3A_29, %slice3A_30 : vector<128x8xf32>
    %slice3A_32 = vector.extract_strided_slice %add3A {offsets = [0, 120], sizes = [128, 8], strides = [1, 1]} : vector<128x128xf32> to vector<128x8xf32>
    %add3A_33 = arith.addf %add3A_31, %slice3A_32 : vector<128x8xf32>
    %slice3A_34 = vector.extract_strided_slice %add3A_33 {offsets = [0, 0], sizes = [128, 4], strides = [1, 1]} : vector<128x8xf32> to vector<128x4xf32>
    %slice3A_35 = vector.extract_strided_slice %add3A_33 {offsets = [0, 4], sizes = [128, 4], strides = [1, 1]} : vector<128x8xf32> to vector<128x4xf32>
    %add3A_36 = arith.addf %slice3A_34, %slice3A_35 : vector<128x4xf32>
    %slice3A_37 = vector.extract_strided_slice %add3A_36 {offsets = [0, 0], sizes = [128, 2], strides = [1, 1]} : vector<128x4xf32> to vector<128x2xf32>
    %slice3A_38 = vector.extract_strided_slice %add3A_36 {offsets = [0, 2], sizes = [128, 2], strides = [1, 1]} : vector<128x4xf32> to vector<128x2xf32>
    %add3A_39 = arith.addf %slice3A_37, %slice3A_38 : vector<128x2xf32>
    %slice3A_40 = vector.extract_strided_slice %add3A_39 {offsets = [0, 0], sizes = [128, 1], strides = [1, 1]} : vector<128x2xf32> to vector<128x1xf32>
    %slice3A_41 = vector.extract_strided_slice %add3A_39 {offsets = [0, 1], sizes = [128, 1], strides = [1, 1]} : vector<128x2xf32> to vector<128x1xf32>
    %add3A_42 = arith.addf %slice3A_40, %slice3A_41 : vector<128x1xf32>
    %mul3A_43 = arith.constant 2.000000e+00 : f32
    %mul3A_44 = vector.broadcast %mul3A_43 : f32 to vector<128x256xf32>
    %mul3A_45 = arith.mulf %mul3A_44, %get3A_1 : vector<128x256xf32>
    %convert_element_type3A = arith.truncf %mul3A_45 : vector<128x256xf32> to vector<128x256xbf16>
    %get3A_46 = arith.constant 0 : index
    %get3A_47 = arith.constant 0 : index
    %get3A_48 = vector.load %arg2[%get3A_46, %get3A_47] : memref<8192x256xbf16, #tpu.memory_space<vmem>>, vector<2736x256xbf16>
    %dot_general3A = arith.constant dense<0.000000e+00> : vector<128x2736xf32>
    %dot_general3A_49 = tpu.matmul %convert_element_type3A, %get3A_48, %dot_general3A {dimension_numbers = #tpu.dot_dimension_numbers<[1], [1], [0], [0], [0, 0, 1, 0], [], []>, transpose_lhs_hint = false} : vector<128x256xbf16>, vector<2736x256xbf16>, vector<128x2736xf32> -> vector<128x2736xf32>
    %sub3A = vector.broadcast %add3A_42 : vector<128x1xf32> to vector<128x2736xf32>
    %sub3A_50 = arith.subf %sub3A, %dot_general3A_49 : vector<128x2736xf32>
    %get3A_51 = arith.constant 0 : index
    %get3A_52 = vector.load %arg3[%get3A_51] : memref<8192xf32, #tpu.memory_space<vmem>>, vector<2736xf32>
    %broadcast_in_dim3A = vector.shape_cast %get3A_52 : vector<2736xf32> to vector<1x2736xf32>
    %add3A_53 = vector.broadcast %broadcast_in_dim3A : vector<1x2736xf32> to vector<128x2736xf32>
    %add3A_54 = arith.addf %sub3A_50, %add3A_53 : vector<128x2736xf32>
    %reduce_min3A = arith.constant dense<0x7F800000> : vector<128xf32>
    %reduce_min3A_55 = vector.multi_reduction <minimumf>, %add3A_54, %reduce_min3A [1] : vector<128x2736xf32> to vector<128xf32>
    %argmin3A = tpu.reduce_index %add3A_54 {axis = 1 : i32, kind = #tpu.reduction_kind<arg_min>} : vector<128x2736xf32> -> vector<128xi32>
    %add3A_56 = arith.constant 0 : i32
    %add3A_57 = vector.broadcast %add3A_56 : i32 to vector<128xi32>
    %add3A_58 = arith.addi %argmin3A, %add3A_57 : vector<128xi32>
    %convert_element_type3A_59 = arith.truncf %reduce_min3A_55 : vector<128xf32> to vector<128xbf16>
    %convert_element_type3A_60 = arith.extf %convert_element_type3A_59 : vector<128xbf16> to vector<128xf32>
    %get3A_61 = arith.constant 2736 : index
    %get3A_62 = arith.constant 0 : index
    %get3A_63 = vector.load %arg2[%get3A_61, %get3A_62] : memref<8192x256xbf16, #tpu.memory_space<vmem>>, vector<2736x256xbf16>
    %dot_general3A_64 = arith.constant dense<0.000000e+00> : vector<128x2736xf32>
    %dot_general3A_65 = tpu.matmul %convert_element_type3A, %get3A_63, %dot_general3A_64 {dimension_numbers = #tpu.dot_dimension_numbers<[1], [1], [0], [0], [0, 0, 1, 0], [], []>, transpose_lhs_hint = false} : vector<128x256xbf16>, vector<2736x256xbf16>, vector<128x2736xf32> -> vector<128x2736xf32>
    %sub3A_66 = vector.broadcast %add3A_42 : vector<128x1xf32> to vector<128x2736xf32>
    %sub3A_67 = arith.subf %sub3A_66, %dot_general3A_65 : vector<128x2736xf32>
    %get3A_68 = arith.constant 2736 : index
    %get3A_69 = vector.load %arg3[%get3A_68] : memref<8192xf32, #tpu.memory_space<vmem>>, vector<2736xf32>
    %broadcast_in_dim3A_70 = vector.shape_cast %get3A_69 : vector<2736xf32> to vector<1x2736xf32>
    %add3A_71 = vector.broadcast %broadcast_in_dim3A_70 : vector<1x2736xf32> to vector<128x2736xf32>
    %add3A_72 = arith.addf %sub3A_67, %add3A_71 : vector<128x2736xf32>
    %reduce_min3A_73 = arith.constant dense<0x7F800000> : vector<128xf32>
    %reduce_min3A_74 = vector.multi_reduction <minimumf>, %add3A_72, %reduce_min3A_73 [1] : vector<128x2736xf32> to vector<128xf32>
    %argmin3A_75 = tpu.reduce_index %add3A_72 {axis = 1 : i32, kind = #tpu.reduction_kind<arg_min>} : vector<128x2736xf32> -> vector<128xi32>
    %add3A_76 = arith.constant 2736 : i32
    %add3A_77 = vector.broadcast %add3A_76 : i32 to vector<128xi32>
    %add3A_78 = arith.addi %argmin3A_75, %add3A_77 : vector<128xi32>
    %lt3A = arith.cmpf olt, %reduce_min3A_74, %convert_element_type3A_60 : vector<128xf32>
    %convert_element_type3A_79 = arith.truncf %reduce_min3A_74 : vector<128xf32> to vector<128xbf16>
    %convert_element_type3A_80 = arith.extf %convert_element_type3A_79 : vector<128xbf16> to vector<128xf32>
    %select_n3A = arith.select %lt3A, %convert_element_type3A_80, %convert_element_type3A_60 : vector<128xi1>, vector<128xf32>
    %select_n3A_81 = arith.select %lt3A, %add3A_78, %add3A_58 : vector<128xi1>, vector<128xi32>
    %get3A_82 = arith.constant 5472 : index
    %get3A_83 = arith.constant 0 : index
    %get3A_84 = vector.load %arg2[%get3A_82, %get3A_83] : memref<8192x256xbf16, #tpu.memory_space<vmem>>, vector<2720x256xbf16>
    %dot_general3A_85 = arith.constant dense<0.000000e+00> : vector<128x2720xf32>
    %dot_general3A_86 = tpu.matmul %convert_element_type3A, %get3A_84, %dot_general3A_85 {dimension_numbers = #tpu.dot_dimension_numbers<[1], [1], [0], [0], [0, 0, 1, 0], [], []>, transpose_lhs_hint = false} : vector<128x256xbf16>, vector<2720x256xbf16>, vector<128x2720xf32> -> vector<128x2720xf32>
    %sub3A_87 = vector.broadcast %add3A_42 : vector<128x1xf32> to vector<128x2720xf32>
    %sub3A_88 = arith.subf %sub3A_87, %dot_general3A_86 : vector<128x2720xf32>
    %get3A_89 = arith.constant 5472 : index
    %get3A_90 = vector.load %arg3[%get3A_89] : memref<8192xf32, #tpu.memory_space<vmem>>, vector<2720xf32>
    %broadcast_in_dim3A_91 = vector.shape_cast %get3A_90 : vector<2720xf32> to vector<1x2720xf32>
    %add3A_92 = vector.broadcast %broadcast_in_dim3A_91 : vector<1x2720xf32> to vector<128x2720xf32>
    %add3A_93 = arith.addf %sub3A_88, %add3A_92 : vector<128x2720xf32>
    %reduce_min3A_94 = arith.constant dense<0x7F800000> : vector<128xf32>
    %reduce_min3A_95 = vector.multi_reduction <minimumf>, %add3A_93, %reduce_min3A_94 [1] : vector<128x2720xf32> to vector<128xf32>
    %argmin3A_96 = tpu.reduce_index %add3A_93 {axis = 1 : i32, kind = #tpu.reduction_kind<arg_min>} : vector<128x2720xf32> -> vector<128xi32>
    %add3A_97 = arith.constant 5472 : i32
    %add3A_98 = vector.broadcast %add3A_97 : i32 to vector<128xi32>
    %add3A_99 = arith.addi %argmin3A_96, %add3A_98 : vector<128xi32>
    %lt3A_100 = arith.cmpf olt, %reduce_min3A_95, %select_n3A : vector<128xf32>
    %select_n3A_101 = arith.select %lt3A_100, %add3A_99, %select_n3A_81 : vector<128xi1>, vector<128xi32>
    %swap3A = arith.constant 0 : index
    %swap3A_102 = arith.constant 0 : index
    %swap3A_103 = arith.constant 0 : index
    %swap3A_104 = vector.load %arg4[%swap3A, %swap3A_102, %swap3A_103] : memref<1x1x128xi32, #tpu.memory_space<vmem>>, vector<1x1x128xi32>
    %swap3A_105 = vector.shape_cast %swap3A_104 : vector<1x1x128xi32> to vector<128xi32>
    %swap3A_106 = vector.shape_cast %select_n3A_101 : vector<128xi32> to vector<1x1x128xi32>
    tpu.vector_store %arg4[%swap3A, %swap3A_102, %swap3A_103], %swap3A_106 {strides = array<i32>} : memref<1x1x128xi32, #tpu.memory_space<vmem>>, vector<1x1x128xi32>,
    return
  }
  func.func @transform_0(%arg0: i32) -> (i32, i32) {
    %c0_i32 = arith.constant 0 : i32
    %c0_i32_0 = arith.constant 0 : i32
    return %arg0, %c0_i32 : i32, i32
  }
  func.func @transform_1(%arg0: i32) -> (i32, i32) {
    %c0_i32 = arith.constant 0 : i32
    %c0_i32_0 = arith.constant 0 : i32
    %c0_i32_1 = arith.constant 0 : i32
    return %c0_i32, %c0_i32_0 : i32, i32
  }
  func.func @transform_2(%arg0: i32) -> i32 {
    %c0_i32 = arith.constant 0 : i32
    %c0_i32_0 = arith.constant 0 : i32
    return %c0_i32 : i32
  }
  func.func @transform_3(%arg0: i32) -> (i32, i32, i32) {
    %c0_i32 = arith.constant 0 : i32
    %c0_i32_0 = arith.constant 0 : i32
    %c0_i32_1 = arith.constant 0 : i32
    return %arg0, %c0_i32, %c0_i32_0 : i32, i32, i32
  }
}

module attributes {stable_mosaic.version = 14 : i64} {
  func.func @_e2_body(%arg0: i32, %arg1: memref<512x256xf32, #tpu.memory_space<vmem>>, %arg2: memref<1x1x512xf32, #tpu.memory_space<vmem>>) attributes {dimension_semantics = [#tpu.dimension_semantics<arbitrary>], iteration_bounds = array<i64: 16>, scalar_prefetch = 0 : i64, scratch_operands = 0 : i64, tpu.core_type = #tpu.core_type<tc>, window_params = [{transform_indices = @transform_0, window_bounds = array<i64: 512, 256>}, {transform_indices = @transform_1, window_bounds = array<i64: 1, 1, 512>}]} {
    %get3A = arith.constant 0 : index
    %get3A_0 = arith.constant 0 : index
    %get3A_1 = vector.load %arg1[%get3A, %get3A_0] : memref<512x256xf32, #tpu.memory_space<vmem>>, vector<512x256xf32>
    %mul3A = arith.mulf %get3A_1, %get3A_1 : vector<512x256xf32>
    %slice3A = vector.extract_strided_slice %mul3A {offsets = [0, 0], sizes = [512, 128], strides = [1, 1]} : vector<512x256xf32> to vector<512x128xf32>
    %slice3A_2 = vector.extract_strided_slice %mul3A {offsets = [0, 128], sizes = [512, 128], strides = [1, 1]} : vector<512x256xf32> to vector<512x128xf32>
    %add3A = arith.addf %slice3A, %slice3A_2 : vector<512x128xf32>
    %slice3A_3 = vector.extract_strided_slice %add3A {offsets = [0, 0], sizes = [512, 8], strides = [1, 1]} : vector<512x128xf32> to vector<512x8xf32>
    %slice3A_4 = vector.extract_strided_slice %add3A {offsets = [0, 8], sizes = [512, 8], strides = [1, 1]} : vector<512x128xf32> to vector<512x8xf32>
    %add3A_5 = arith.addf %slice3A_3, %slice3A_4 : vector<512x8xf32>
    %slice3A_6 = vector.extract_strided_slice %add3A {offsets = [0, 16], sizes = [512, 8], strides = [1, 1]} : vector<512x128xf32> to vector<512x8xf32>
    %add3A_7 = arith.addf %add3A_5, %slice3A_6 : vector<512x8xf32>
    %slice3A_8 = vector.extract_strided_slice %add3A {offsets = [0, 24], sizes = [512, 8], strides = [1, 1]} : vector<512x128xf32> to vector<512x8xf32>
    %add3A_9 = arith.addf %add3A_7, %slice3A_8 : vector<512x8xf32>
    %slice3A_10 = vector.extract_strided_slice %add3A {offsets = [0, 32], sizes = [512, 8], strides = [1, 1]} : vector<512x128xf32> to vector<512x8xf32>
    %add3A_11 = arith.addf %add3A_9, %slice3A_10 : vector<512x8xf32>
    %slice3A_12 = vector.extract_strided_slice %add3A {offsets = [0, 40], sizes = [512, 8], strides = [1, 1]} : vector<512x128xf32> to vector<512x8xf32>
    %add3A_13 = arith.addf %add3A_11, %slice3A_12 : vector<512x8xf32>
    %slice3A_14 = vector.extract_strided_slice %add3A {offsets = [0, 48], sizes = [512, 8], strides = [1, 1]} : vector<512x128xf32> to vector<512x8xf32>
    %add3A_15 = arith.addf %add3A_13, %slice3A_14 : vector<512x8xf32>
    %slice3A_16 = vector.extract_strided_slice %add3A {offsets = [0, 56], sizes = [512, 8], strides = [1, 1]} : vector<512x128xf32> to vector<512x8xf32>
    %add3A_17 = arith.addf %add3A_15, %slice3A_16 : vector<512x8xf32>
    %slice3A_18 = vector.extract_strided_slice %add3A {offsets = [0, 64], sizes = [512, 8], strides = [1, 1]} : vector<512x128xf32> to vector<512x8xf32>
    %add3A_19 = arith.addf %add3A_17, %slice3A_18 : vector<512x8xf32>
    %slice3A_20 = vector.extract_strided_slice %add3A {offsets = [0, 72], sizes = [512, 8], strides = [1, 1]} : vector<512x128xf32> to vector<512x8xf32>
    %add3A_21 = arith.addf %add3A_19, %slice3A_20 : vector<512x8xf32>
    %slice3A_22 = vector.extract_strided_slice %add3A {offsets = [0, 80], sizes = [512, 8], strides = [1, 1]} : vector<512x128xf32> to vector<512x8xf32>
    %add3A_23 = arith.addf %add3A_21, %slice3A_22 : vector<512x8xf32>
    %slice3A_24 = vector.extract_strided_slice %add3A {offsets = [0, 88], sizes = [512, 8], strides = [1, 1]} : vector<512x128xf32> to vector<512x8xf32>
    %add3A_25 = arith.addf %add3A_23, %slice3A_24 : vector<512x8xf32>
    %slice3A_26 = vector.extract_strided_slice %add3A {offsets = [0, 96], sizes = [512, 8], strides = [1, 1]} : vector<512x128xf32> to vector<512x8xf32>
    %add3A_27 = arith.addf %add3A_25, %slice3A_26 : vector<512x8xf32>
    %slice3A_28 = vector.extract_strided_slice %add3A {offsets = [0, 104], sizes = [512, 8], strides = [1, 1]} : vector<512x128xf32> to vector<512x8xf32>
    %add3A_29 = arith.addf %add3A_27, %slice3A_28 : vector<512x8xf32>
    %slice3A_30 = vector.extract_strided_slice %add3A {offsets = [0, 112], sizes = [512, 8], strides = [1, 1]} : vector<512x128xf32> to vector<512x8xf32>
    %add3A_31 = arith.addf %add3A_29, %slice3A_30 : vector<512x8xf32>
    %slice3A_32 = vector.extract_strided_slice %add3A {offsets = [0, 120], sizes = [512, 8], strides = [1, 1]} : vector<512x128xf32> to vector<512x8xf32>
    %add3A_33 = arith.addf %add3A_31, %slice3A_32 : vector<512x8xf32>
    %slice3A_34 = vector.extract_strided_slice %add3A_33 {offsets = [0, 0], sizes = [512, 4], strides = [1, 1]} : vector<512x8xf32> to vector<512x4xf32>
    %slice3A_35 = vector.extract_strided_slice %add3A_33 {offsets = [0, 4], sizes = [512, 4], strides = [1, 1]} : vector<512x8xf32> to vector<512x4xf32>
    %add3A_36 = arith.addf %slice3A_34, %slice3A_35 : vector<512x4xf32>
    %slice3A_37 = vector.extract_strided_slice %add3A_36 {offsets = [0, 0], sizes = [512, 2], strides = [1, 1]} : vector<512x4xf32> to vector<512x2xf32>
    %slice3A_38 = vector.extract_strided_slice %add3A_36 {offsets = [0, 2], sizes = [512, 2], strides = [1, 1]} : vector<512x4xf32> to vector<512x2xf32>
    %add3A_39 = arith.addf %slice3A_37, %slice3A_38 : vector<512x2xf32>
    %slice3A_40 = vector.extract_strided_slice %add3A_39 {offsets = [0, 0], sizes = [512, 1], strides = [1, 1]} : vector<512x2xf32> to vector<512x1xf32>
    %slice3A_41 = vector.extract_strided_slice %add3A_39 {offsets = [0, 1], sizes = [512, 1], strides = [1, 1]} : vector<512x2xf32> to vector<512x1xf32>
    %add3A_42 = arith.addf %slice3A_40, %slice3A_41 : vector<512x1xf32>
    %squeeze3A = vector.shape_cast %add3A_42 : vector<512x1xf32> to vector<512xf32>
    %swap3A = arith.constant 0 : index
    %swap3A_43 = arith.constant 0 : index
    %swap3A_44 = arith.constant 0 : index
    %swap3A_45 = vector.load %arg2[%swap3A, %swap3A_43, %swap3A_44] : memref<1x1x512xf32, #tpu.memory_space<vmem>>, vector<1x1x512xf32>
    %swap3A_46 = vector.shape_cast %swap3A_45 : vector<1x1x512xf32> to vector<512xf32>
    %swap3A_47 = vector.shape_cast %squeeze3A : vector<512xf32> to vector<1x1x512xf32>
    tpu.vector_store %arg2[%swap3A, %swap3A_43, %swap3A_44], %swap3A_47 {strides = array<i32>} : memref<1x1x512xf32, #tpu.memory_space<vmem>>, vector<1x1x512xf32>,
    return
  }
  func.func @transform_0(%arg0: i32) -> (i32, i32) {
    %c0_i32 = arith.constant 0 : i32
    %c0_i32_0 = arith.constant 0 : i32
    return %arg0, %c0_i32 : i32, i32
  }
  func.func @transform_1(%arg0: i32) -> (i32, i32, i32) {
    %c0_i32 = arith.constant 0 : i32
    %c0_i32_0 = arith.constant 0 : i32
    %c0_i32_1 = arith.constant 0 : i32
    return %arg0, %c0_i32, %c0_i32_0 : i32, i32, i32
  }
}

</mosaic_0001>

<sc_bundles>
// kernel: kernel.5.cloned.1.call-start
scs
__scs_entry_jumppad:
0x0: {  	(pc) =	sbr.rel $0x88, $3  }
0x1: {  	(tag) =	ssettag $0x0;
	lr =	simm.s32 $0x1  }
0x2: {  	[smem:$0x3F9F] =	sst lr;
	_ =	strace $0xD0000000  }
0x3: {  	_ = 	snop  }
0x4: {  	_ = 	snop  }
0x5: {  	_ = 	snop  }
0x6: {  	_ = 	snop  }
0x7: {  	_ = 	snop  }
__scs_overlays_trampoline_lowered:
0x8: {  	[smem:$0x3FAE] =	sst s0  }
0x9: {  	[smem:$0x3FAF] =	sst s1  }
0xa: {  	[smem:$0x3FB0] =	sst s2  }
0xb: {  	[smem:$0x3FB1] =	sst s3  }
0xc: {  	[smem:$0x3FB2] =	sst s4  }
0xd: {  	[smem:$0x3FB3] =	sst s5  }
0xe: {  	[smem:$0x3FB4] =	sst s6  }
0xf: {  	[smem:$0x3FB5] =	sst s7  }
0x10: {  	[smem:$0x3FB6] =	sst s8  }
0x11: {  	[smem:$0x3FB7] =	sst s9;
	s0 =	simm.s32 @!p0 $0x0  }
0x12: {  	s1 =	sld [smem:$0x3F9D];
	s0 =	simm.s32 @p0 $0x1  }
0x13: {  	[smem:$0x3FB8] =	sst s0;
	s0 =	simm.s32 @!p1 $0x0  }
0x14: {  	s2 =	sld [smem:$0x3F9C];
	s0 =	simm.s32 @p1 $0x1  }
0x15: {  	[smem:$0x3FB9] =	sst s0;
	s0 =	simm.s32 @!p2 $0x0  }
0x16: {  	s3 =	sld [smem:$0x3FDB];
	s0 =	simm.s32 @p2 $0x1  }
0x17: {  	s4 =	simm.s32 $0x1BF5;
	[smem:$0x3FBB] =	sst s0  }
0x18: {  	s0 =	sld [smem:$0x3F9E];
	_ =	swait.ge [sflag:s4], $0x0  }
0x19: {  	s7 =	sld [smem:$0x3F9F]  }
0x1a: {  	s8 =	sadd.s32 $0xFFFFE003, lr  }
0x1b: {  	s9 =	sadd.s32 $0xFFFFFEF7, lr;
	s5 =	simm.s32 $0xFFFFFFFF;
	p2 =	slt.u32 s8, $0xFFFFF086  }
0x1c: {  	p1 =	slt.u32 s9, $0xF7A;
	s5 =	simm.s32 @!p2 $0x0  }
0x1d: {  	s5 =	simm.s32 @p1 $0x1;
	p0 =	seq.s32 s7, s2  }
0x1e: {  	s7 =	smul.u32 @!p0 $0xF7A, s2;
	p2 =	seq.s32 @!p0 s5, $0x0  }
0x1f: {  	s9 =	smul.u32 $0xF7A, s1;
	s8 =	simm.s32 @!p0 $0x1BF5;
	p2 =	por !p2, p0  }
0x20: {  	[sflag:s8] =	ssyncset.s32 @!p0 $0xFFFFF086;
	s6 =	sadd.s32 @!p0 s3, s7;
	s7 =	simm.s32 @!p0 $0x108  }
0x21: {  	s3 =	sadd.s32 s3, s9;
	s6 =	sadd.s32 @!p0 $0x88, s6;
	s7 =	simm.s32 @p2 $0x1082  }
0x22: {  	[simem:s7], [sflag:s8] =	dma.local @!p0 [hbm:s6], $0xF7A  }
0x23: {  	s9 =	sor.u32 $0xD0000000, s2;
	s6 =	simm.s32 $0x108;
	_ =	swait.ge @!p0 [sflag:s8], $0x0  }
0x24: {  	s3 =	sadd.s32 $0x88, s3;
	s6 =	simm.s32 @!p1 $0x1082;
	[sflag:s4] =	ssyncset.s32 $0xFFFFF086  }
0x25: {  	[simem:s6], [sflag:s4] =	dma.local [hbm:s3], $0xF7A  }
0x26: {  	[smem:$0x3F9F] =	sst s1;
	(tag) =	ssettag s2;
	_ =	strace s9  }
0x27: {  	s1 =	sld [smem:$0x3FAF]  }
0x28: {  	s2 =	sld [smem:$0x3FB0]  }
0x29: {  	s4 =	sld [smem:$0x3FB2]  }
0x2a: {  	p0 =	seq.s32 s5, $0x0;
	s5 =	sld [smem:$0x3FB3]  }
0x2b: {  	s6 =	sld [smem:$0x3FB4]  }
0x2c: {  	s7 =	sld [smem:$0x3FB5]  }
0x2d: {  	s3 =	simm.s32 $0x108;
	s8 =	sld [smem:$0x3FB6]  }
0x2e: {  	s3 =	simm.s32 @!p0 $0x1082;
	s9 =	sld [smem:$0x3FB7]  }
0x2f: {  	lr =	sadd.s32 s0, s3;
	s0 =	sld [smem:$0x3FAE]  }
0x30: {  	s3 =	sld [smem:$0x3FB1]  }
0x31: {  	[smem:$0x3FBA] =	sst s10  }
0x32: {  	s10 =	sld [smem:$0x3FB8];
	_ =	sdelay $0x3  }
0x33: {  	p0 =	seq.s32 s10, $0x1;
	s10 =	sld [smem:$0x3FBA];
	_ =	sdelay $0x3  }
0x34: {  	[smem:$0x3FBA] =	sst s10  }
0x35: {  	s10 =	sld [smem:$0x3FB9];
	_ =	sdelay $0x3  }
0x36: {  	p1 =	seq.s32 s10, $0x1;
	s10 =	sld [smem:$0x3FBA];
	_ =	sdelay $0x3  }
0x37: {  	[smem:$0x3FBA] =	sst s10  }
0x38: {  	s10 =	sld [smem:$0x3FBB]  }
0x39: {  	_ = 	snop;
	(pc) =	sbr.ind lr, $3  }
0x3a: {  	_ = 	snop  }
0x3b: {  	_ = 	snop  }
0x3c: {  	p2 =	seq.s32 s10, $0x1;
	s10 =	sld [smem:$0x3FBA]  }
0x3d: {  	_ =	shalt  }
0x3e: {  	_ =	shalt  }
0x3f: {  	_ =	shalt  }
0x40: {  	_ =	shalt  }
0x41: {  	_ =	shalt  }
0x42: {  	_ =	shalt  }
0x43: {  	_ =	shalt  }
0x44: {  	_ =	shalt  }
0x45: {  	_ =	shalt  }
0x46: {  	_ =	shalt  }
0x47: {  	_ =	shalt  }
0x48: {  	_ =	shalt  }
0x49: {  	_ =	shalt  }
0x4a: {  	_ =	shalt  }
0x4b: {  	_ =	shalt  }
0x4c: {  	_ =	shalt  }
0x4d: {  	_ =	shalt  }
0x4e: {  	_ =	shalt  }
0x4f: {  	_ =	shalt  }
0x50: {  	_ =	shalt  }
0x51: {  	_ =	shalt  }
0x52: {  	_ =	shalt  }
0x53: {  	_ =	shalt  }
0x54: {  	_ =	shalt  }
0x55: {  	_ =	shalt  }
0x56: {  	_ =	shalt  }
0x57: {  	_ =	shalt  }
0x58: {  	_ =	shalt  }
0x59: {  	_ =	shalt  }
0x5a: {  	_ =	shalt  }
0x5b: {  	_ =	shalt  }
0x5c: {  	_ =	shalt  }
0x5d: {  	_ =	shalt  }
0x5e: {  	_ =	shalt  }
0x5f: {  	_ =	shalt  }
0x60: {  	_ =	shalt  }
0x61: {  	_ =	shalt  }
0x62: {  	_ =	shalt  }
0x63: {  	_ =	shalt  }
0x64: {  	_ =	shalt  }
0x65: {  	_ =	shalt  }
0x66: {  	_ =	shalt  }
0x67: {  	_ =	shalt  }
0x68: {  	_ =	shalt  }
0x69: {  	_ =	shalt  }
0x6a: {  	_ =	shalt  }
0x6b: {  	_ =	shalt  }
0x6c: {  	_ =	shalt  }
0x6d: {  	_ =	shalt  }
0x6e: {  	_ =	shalt  }
0x6f: {  	_ =	shalt  }
0x70: {  	_ =	shalt  }
0x71: {  	_ =	shalt  }
0x72: {  	_ =	shalt  }
0x73: {  	_ =	shalt  }
0x74: {  	_ =	shalt  }
0x75: {  	_ =	shalt  }
0x76: {  	_ =	shalt  }
0x77: {  	_ =	shalt  }
0x78: {  	_ =	shalt  }
0x79: {  	_ =	shalt  }
0x7a: {  	_ =	shalt  }
0x7b: {  	_ =	shalt  }
0x7c: {  	_ =	shalt  }
0x7d: {  	_ =	shalt  }
0x7e: {  	_ =	shalt  }
0x7f: {  	_ =	shalt  }
0x80: {  	_ =	shalt  }
0x81: {  	_ =	shalt  }
0x82: {  	_ =	shalt  }
0x83: {  	_ =	shalt  }
0x84: {  	_ =	shalt  }
0x85: {  	_ =	shalt  }
0x86: {  	_ =	shalt  }
0x87: {  	_ =	shalt  }
.Lfunc_end0:
.L_simem_size_0:
called_computation_lowered:
.L_overlay_start_0:
0x88: {  	s2 =	sld [smem:$0x3FD9]  }
0x89: {  	s3 =	sld [smem:$0x3FFE];
	_ =	sdelay $0x1  }
0x8a: {  	s1 =	srdreg.scid  }
0x8b: {  	s0 =	sand.u32 $0x1, s1  }
0x8c: {  	s14 =	sshll.u32 s0, $0xA;
	s2 =	sadd.s32 s3, s2  }
0x8d: {  	s2 =	sadd.s32 s2, s14  }
0x8e: {  	[smem:$0x3FC6] =	sst s2  }
0x8f: {  	_ = 	snop  }
0x90: {  	s2 =	sld [smem:$0x3FD0];
	_ =	sdelay $0x2  }
0x91: {  	s4 =	simm.s32 $0xA;
	s5 =	simm.s32 $0x10;
	s15 =	sld [smem:$0x3FC8]  }
0x92: {  	[smem:s5], [sflag:s4] =	dma.local [hbm:s2], $0x1  }
0x93: {  	_ =	swait.eq [sflag:s4], $0x1  }
0x94: {  	[sflag:s4] =	ssyncset.done $0x0  }
0x95: {  	[sflag:s4] =	ssyncadd.s32 $0xFFFFFFFF  }
0x96: {  	s16 =	sld [smem:$0x10];
	(tm) =	ssettm $0x1  }
0x97: {  	s17 =	sld [smem:$0x3FFB];
	_ =	sdelay $0x3  }
0x98: {  	_ =	strace s17  }
0x99: {  	s4 =	sld [smem:$0x3FFC];
	_ =	sdelay $0x3  }
0x9a: {  	_ =	strace s4  }
0x9b: {  	s4 =	sld [smem:$0x3FFD];
	_ =	sdelay $0x3  }
0x9c: {  	_ =	strace s4  }
0x9d: {  	_ =	strace $0x8FFFFFFF  }
0x9e: {  	s18 =	sld [smem:$0x3FDB];
	_ =	sdelay $0x1  }
0x9f: {  	s19 =	simm.s32 $_scs_section_size  }
0xa0: {  	s6 =	simm.s32 $_size__tile_overlayer_lowered;
	s7 =	simm.s32 $_tile_overlayer_lowered  }
0xa1: {  	s22 =	simm.s32 $0x1BFF;
	s21 =	sshll.u32 s7, $0x1;
	s4 =	sadd.s32 s19, s18  }
0xa2: {  	s8 =	simm.s32 $0x0;
	s20 =	sshll.u32 s6, $0x1;
	s6 =	sadd.s32 s21, s4  }
0xa3: {  	[timem:s8], [sflag:s22] =	dma.local [hbm:s6], s20  }
0xa4: {  	_ =	swait.ge [sflag:s22], s20  }
0xa5: {  	s5 =	ssub.s32 $0x0, s20;
	[sflag:s22] =	ssyncset.done $0x0  }
0xa6: {  	[sflag:s22] =	ssyncadd.s32 s5;
	_ =	sdelay $0x1  }
0xa7: {  	s23 =	simm.s32 $0x1B8B  }
0xa8: {  	_ =	swait.ge [sflag:s23], $0x1  }
0xa9: {  	[sflag:s23] =	ssyncset.done $0x0  }
0xaa: {  	s25 =	simm.s32 $0x1B8E;
	s24 =	sld [smem:$0x3FFE];
	[sflag:s23] =	ssyncadd.s32 $0xFFFFFFFF  }
0xab: {  	s26 =	simm.s32 $execute0_lowered;
	[smem:$0x3FD2] =	sst s25  }
0xac: {  	s6 =	sshll.u32 s26, $0x1;
	_ =	strace $0x80000046;
	[dreg:$0x1] =	wrdreg $0xFFFFFFFF  }
0xad: {  	s28 =	simm.s32 $_size_execute0_lowered;
	s4 =	sadd.s32 s4, s6;
	[dreg:$0x0] =	wrdreg $0x0  }
0xae: {  	s6 =	sshll.u32 s28, $0x1;
	[dreg:$0x2] =	wrdreg s4  }
0xaf: {  	[dreg:$0x3] =	wrdreg s6  }
0xb0: {  	[dreg:$0x4] =	wrdreg $0xC0  }
0xb1: {  	_ =	task [dreg:s8], $0x5FFFF  }
0xb2: {  	[dreg:$0x1] =	wrdreg $0xFFFFFFFF  }
0xb3: {  	[dreg:$0x0] =	wrdreg $0x60  }
0xb4: {  	[dreg:$0x2] =	wrdreg s15  }
0xb5: {  	[dreg:$0x3] =	wrdreg s24  }
0xb6: {  	[dreg:$0x4] =	wrdreg s16  }
0xb7: {  	[dreg:$0x5] =	wrdreg $0x9  }
0xb8: {  	_ =	task.clear_ibuf [dreg:s8], $0x6FFFF;
	_ =	strace $0x90000046  }
0xb9: {  	s29 =	simm.s32 $0x9;
	_ =	strace $0x80000048  }
0xba: {  	_ =	swait.ge [sflag:s29], $0x1  }
0xbb: {  	[sflag:s29] =	ssyncadd.s32 $0xFFFFFFFF  }
0xbc: {  	_ =	strace $0x90000048  }
0xbd: {  	_ =	sfence  }
0xbe: {  	s30 =	sld [smem:$0x0];
	_ =	sdelay $0x2  }
0xbf: {  	s31 =	sshll.u32 s1, $0xD;
	s1 =	sshrl.u32 s1, $0x2  }
0xc0: {  	s3 =	sand.u32 $0x4000, s31;
	s1 =	sadd.s32 s1, s30  }
0xc1: {  	s0 =	sor.u32 s3, s0;
	s1 =	sshll.u32 s1, $0x11  }
0xc2: {  	s0 =	sor.u32 s1, s0  }
0xc3: {  	s0 =	sadd.s32 $0x8F2B, s0  }
0xc4: {  	[sflag:s0] =	ssyncadd.remote.s32 $0x1  }
0xc5: {  	_ =	sfence.sel $0xFFFF  }
0xc6: {  	[dreg:$0x0] =	wrdreg $0xFFFFFFFF;
	(pc) =	sbr.abs _section_cstart, $3  }
0xc7: {  	[dreg:$0x1] =	wrdreg $0xFFFFFFFF  }
0xc8: {  	_ =	task.clear_ibuf [dreg:s8], $0x2FFFF;
	_ =	strace $0x9FFFFFFF  }
0xc9: {  	(tm) =	ssettm $0x7FFFFFFF  }
tec
execute0_lowered:
.L_overlay_start_1:
0x0: {  	(tag) =	ssettag $0x1  }
0x1: {  	s1 =	rddreg [dreg:$0x0]  }
0x2: {  	s4 =	rddreg [dreg:$0x1]  }
0x3: {  	s11 =	rddreg [dreg:$0x2]  }
0x4: {  	s0 =	rddreg [dreg:$0x3]  }
0x5: {  	s3 =	simm.s32 $0x0;
	s5 =	srdreg.scid;
	s2 =	stileid.u32  }
0x6: {  	s16 =	simm.s32 $0x1080;
	s17 =	simm.s32 $0x1880;
	s28 =	simm.s32 $0x6880  }
0x7: {  	s29 =	simm.s32 $0x7080;
	s30 =	simm.s32 $0x7880;
	s31 =	simm.s32 $0x1  }
0x8: {  	[smem:$0x7FF] =	sst s3;
	s5 =	sand.u32 $0x1, s5;
	s6 =	sshll.u32 s2, $0x1  }
0x9: {  	s10 =	sadd.s32 $0x800, s4;
	s9 =	sshll.u32 s2, $0xA;
	_ =	strace $0x80000047  }
0xa: {  	s7 =	sor.u32 s5, s6;
	s18 =	sshll.u32 s5, $0x9;
	s5 =	ssub.s32 $0x2, s5  }
0xb: {  	s6 =	sshll.u32 s7, $0x2;
	s4 =	sor.u32 s18, s9;
	s12 =	sshrl.u32 s5, $0x1  }
0xc: {  	s20 =	sshll.u32 s7, $0xE;
	s23 =	sshllo.u32 s7, $0x2;
	s18 =	simm.s32 $0x2080  }
0xd: {  	s8 =	sor.u32 $0x1, s6;
	s4 =	sshrl.u32 s4, $0x3;
	s12 =	ssub.s32 s5, s12  }
0xe: {  	s15 =	sor.u32 $0x2, s6;
	s5 =	sadd.s32 s11, s20;
	s26 =	sshll.u32 s23, $0x7  }
0xf: {  	s20 =	simm.s32 $0x3080;
	s13 =	sshll.u32 s8, $0x7;
	s4 =	sadd.s32 s10, s4  }
0x10: {  	s22 =	sshll.u32 s15, $0x7;
	s24 =	sshll.u32 s8, $0xC;
	s15 =	sshll.u32 s15, $0xC  }
0x11: {  	s12 =	smax.u32 s12, $0x1;
	s19 =	sand.u32 $0x280, s13;
	s13 =	sand.u32 $0x300, s22  }
0x12: {  	s7 =	sadd.s32 s11, s24;
	s22 =	simm.s32 $0x4080;
	s24 =	simm.s32 $0x5080  }
0x13: {  	s14 =	sor.u32 s9, s19;
	s25 =	sor.u32 s9, s13;
	s13 =	sand.u32 $0x380, s26  }
0x14: {  	s19 =	simm.s32 $0x2880;
	s26 =	simm.s32 $0x6080;
	s21 =	sshrl.u32 s14, $0x3  }
0x15: {  	s8 =	sshrl.u32 s25, $0x3;
	s13 =	sor.u32 s9, s13;
	s9 =	sadd.s32 s11, s15  }
0x16: {  	s14 =	sshll.u32 s23, $0xC;
	s15 =	simm.s32 $0x880;
	s23 =	simm.s32 $0x4880  }
0x17: {  	v2 =	vlaneseq.u32;
	s25 =	simm.s32 $0x5880;
	s6 =	sadd.s32 s10, s21;
	s8 =	sadd.s32 s10, s8  }
0x18: {  	vm0 =	vmmov $0xffff;
	v1 =	vshrl.u32 v2, $0x3;
	s13 =	sshrl.u32 s13, $0x3;
	s11 =	sadd.s32 s11, s14;
	s14 =	simm.s32 $0x80  }
0x19: {  	v0 =	vand.u32 $0x7, v2;
	v2 =	vor.u32 $0x8, v2;
	v1 =	vmul.u32 $0x8, v1;
	s21 =	simm.s32 $0x3880;
	s10 =	sadd.s32 s10, s13;
	s13 =	simm.s32 $0x2  }
.LBB2_1:
0x1a: {  	[tilespmem:s3], [sflag:$0x2] =	stream.linear.gather [hbm4b:s4+s3], $0x80, $0x38;
	[tilespmem:$0x8080] =	vst v63  }
0x1b: {  	_ =	swait.ge [sflag:s13], $0x80  }
0x1c: {  	[sflag:s13] =	ssyncset.done $0x0  }
0x1d: {  	[sflag:s13] =	ssyncadd.s32 $0xFFFFFF80  }
0x1e: {  	v3 =	vld [tilespmem:$0x0];
	_ =	sdelay $0x4  }
0x1f: {  	v4 =	vshll.u32 v3, $0x1  }
0x20: {  	v3 =	vand.u32 $0x7, v3;
	v4 =	vand.u32 $0xFFFFFFF0, v4  }
0x21: {  	v3 =	vor.u32 v3, v4  }
0x22: {  	v4 =	vperm.xlane v3, v0;
	_ =	sdelay $0x1  }
0x23: {  	v3 =	vperm.xlane v3, v2;
	v4 =	vadd.s32 v1, v4;
	_ =	sdelay $0x1  }
0x24: {  	v3 =	vadd.s32 v1, v3;
	_ =	sdelay $0x2  }
0x25: {  	[tilespmem:s14], [sflag:$0x1] =	stream.indirect_vreg.gather [hbm4b:s1+s3], $0x80, v4, vm0, $0xb8;
	[tilespmem:$0x8080] =	vst v63  }
0x26: {  	_ = 	snop  }
0x27: {  	[tilespmem:s15], [sflag:$0x1] =	stream.indirect_vreg.gather [hbm4b:s1+s3], $0x80, v3, vm0, $0xb8;
	[tilespmem:$0x8080] =	vst v63  }
0x28: {  	v3 =	vld [tilespmem:$0x10];
	_ =	sdelay $0x4  }
0x29: {  	v33 =	vshll.u32 v3, $0x1  }
0x2a: {  	v3 =	vand.u32 $0x7, v3;
	v4 =	vand.u32 $0xFFFFFFF0, v33  }
0x2b: {  	v3 =	vor.u32 v3, v4  }
0x2c: {  	v4 =	vperm.xlane v3, v0;
	_ =	sdelay $0x1  }
0x2d: {  	v3 =	vperm.xlane v3, v2;
	v4 =	vadd.s32 v1, v4;
	_ =	sdelay $0x1  }
0x2e: {  	v3 =	vadd.s32 v1, v3;
	_ =	sdelay $0x2  }
0x2f: {  	[tilespmem:s16], [sflag:$0x1] =	stream.indirect_vreg.gather [hbm4b:s1+s3], $0x80, v4, vm0, $0xb8;
	[tilespmem:$0x8080] =	vst v63  }
0x30: {  	_ = 	snop  }
0x31: {  	[tilespmem:s17], [sflag:$0x1] =	stream.indirect_vreg.gather [hbm4b:s1+s3], $0x80, v3, vm0, $0xb8;
	[tilespmem:$0x8080] =	vst v63  }
0x32: {  	v3 =	vld [tilespmem:$0x20];
	_ =	sdelay $0x4  }
0x33: {  	v34 =	vshll.u32 v3, $0x1  }
0x34: {  	v3 =	vand.u32 $0x7, v3;
	v4 =	vand.u32 $0xFFFFFFF0, v34  }
0x35: {  	v3 =	vor.u32 v3, v4  }
0x36: {  	v4 =	vperm.xlane v3, v0;
	_ =	sdelay $0x1  }
0x37: {  	v3 =	vperm.xlane v3, v2;
	v4 =	vadd.s32 v1, v4;
	_ =	sdelay $0x1  }
0x38: {  	v3 =	vadd.s32 v1, v3;
	_ =	sdelay $0x2  }
0x39: {  	[tilespmem:s18], [sflag:$0x1] =	stream.indirect_vreg.gather [hbm4b:s1+s3], $0x80, v4, vm0, $0xb8;
	[tilespmem:$0x8080] =	vst v63  }
0x3a: {  	_ = 	snop  }
0x3b: {  	[tilespmem:s19], [sflag:$0x1] =	stream.indirect_vreg.gather [hbm4b:s1+s3], $0x80, v3, vm0, $0xb8;
	[tilespmem:$0x8080] =	vst v63  }
0x3c: {  	v3 =	vld [tilespmem:$0x30];
	_ =	sdelay $0x4  }
0x3d: {  	v35 =	vshll.u32 v3, $0x1  }
0x3e: {  	v3 =	vand.u32 $0x7, v3;
	v4 =	vand.u32 $0xFFFFFFF0, v35  }
0x3f: {  	v3 =	vor.u32 v3, v4  }
0x40: {  	v4 =	vperm.xlane v3, v0;
	_ =	sdelay $0x1  }
0x41: {  	v3 =	vperm.xlane v3, v2;
	v4 =	vadd.s32 v1, v4;
	_ =	sdelay $0x1  }
0x42: {  	v3 =	vadd.s32 v1, v3;
	_ =	sdelay $0x2  }
0x43: {  	[tilespmem:s20], [sflag:$0x1] =	stream.indirect_vreg.gather [hbm4b:s1+s3], $0x80, v4, vm0, $0xb8;
	[tilespmem:$0x8080] =	vst v63  }
0x44: {  	_ = 	snop  }
0x45: {  	[tilespmem:s21], [sflag:$0x1] =	stream.indirect_vreg.gather [hbm4b:s1+s3], $0x80, v3, vm0, $0xb8;
	[tilespmem:$0x8080] =	vst v63  }
0x46: {  	v3 =	vld [tilespmem:$0x40];
	_ =	sdelay $0x4  }
0x47: {  	v36 =	vshll.u32 v3, $0x1  }
0x48: {  	v3 =	vand.u32 $0x7, v3;
	v4 =	vand.u32 $0xFFFFFFF0, v36  }
0x49: {  	v3 =	vor.u32 v3, v4  }
0x4a: {  	v4 =	vperm.xlane v3, v0;
	_ =	sdelay $0x1  }
0x4b: {  	v3 =	vperm.xlane v3, v2;
	v4 =	vadd.s32 v1, v4;
	_ =	sdelay $0x1  }
0x4c: {  	v3 =	vadd.s32 v1, v3;
	_ =	sdelay $0x2  }
0x4d: {  	[tilespmem:s22], [sflag:$0x1] =	stream.indirect_vreg.gather [hbm4b:s1+s3], $0x80, v4, vm0, $0xb8;
	[tilespmem:$0x8080] =	vst v63  }
0x4e: {  	_ = 	snop  }
0x4f: {  	[tilespmem:s23], [sflag:$0x1] =	stream.indirect_vreg.gather [hbm4b:s1+s3], $0x80, v3, vm0, $0xb8;
	[tilespmem:$0x8080] =	vst v63  }
0x50: {  	v3 =	vld [tilespmem:$0x50];
	_ =	sdelay $0x4  }
0x51: {  	v37 =	vshll.u32 v3, $0x1  }
0x52: {  	v3 =	vand.u32 $0x7, v3;
	v4 =	vand.u32 $0xFFFFFFF0, v37  }
0x53: {  	v3 =	vor.u32 v3, v4  }
0x54: {  	v4 =	vperm.xlane v3, v0;
	_ =	sdelay $0x1  }
0x55: {  	v3 =	vperm.xlane v3, v2;
	v4 =	vadd.s32 v1, v4;
	_ =	sdelay $0x1  }
0x56: {  	v3 =	vadd.s32 v1, v3;
	_ =	sdelay $0x2  }
0x57: {  	[tilespmem:s24], [sflag:$0x1] =	stream.indirect_vreg.gather [hbm4b:s1+s3], $0x80, v4, vm0, $0xb8;
	[tilespmem:$0x8080] =	vst v63  }
0x58: {  	_ = 	snop  }
0x59: {  	[tilespmem:s25], [sflag:$0x1] =	stream.indirect_vreg.gather [hbm4b:s1+s3], $0x80, v3, vm0, $0xb8;
	[tilespmem:$0x8080] =	vst v63  }
0x5a: {  	v3 =	vld [tilespmem:$0x60];
	_ =	sdelay $0x4  }
0x5b: {  	v38 =	vshll.u32 v3, $0x1  }
0x5c: {  	v3 =	vand.u32 $0x7, v3;
	v4 =	vand.u32 $0xFFFFFFF0, v38  }
0x5d: {  	v3 =	vor.u32 v3, v4  }
0x5e: {  	v4 =	vperm.xlane v3, v0;
	_ =	sdelay $0x1  }
0x5f: {  	v3 =	vperm.xlane v3, v2;
	v4 =	vadd.s32 v1, v4;
	_ =	sdelay $0x1  }
0x60: {  	v3 =	vadd.s32 v1, v3;
	_ =	sdelay $0x2  }
0x61: {  	[tilespmem:s26], [sflag:$0x1] =	stream.indirect_vreg.gather [hbm4b:s1+s3], $0x80, v4, vm0, $0xb8;
	[tilespmem:$0x8080] =	vst v63  }
0x62: {  	_ = 	snop  }
0x63: {  	[tilespmem:s28], [sflag:$0x1] =	stream.indirect_vreg.gather [hbm4b:s1+s3], $0x80, v3, vm0, $0xb8;
	[tilespmem:$0x8080] =	vst v63  }
0x64: {  	v3 =	vld [tilespmem:$0x70];
	_ =	sdelay $0x4  }
0x65: {  	v39 =	vshll.u32 v3, $0x1  }
0x66: {  	v3 =	vand.u32 $0x7, v3;
	v4 =	vand.u32 $0xFFFFFFF0, v39  }
0x67: {  	v3 =	vor.u32 v3, v4  }
0x68: {  	v4 =	vperm.xlane v3, v0;
	_ =	sdelay $0x1  }
0x69: {  	v3 =	vperm.xlane v3, v2;
	v4 =	vadd.s32 v1, v4;
	_ =	sdelay $0x1  }
0x6a: {  	v3 =	vadd.s32 v1, v3;
	_ =	sdelay $0x2  }
0x6b: {  	[tilespmem:s29], [sflag:$0x1] =	stream.indirect_vreg.gather [hbm4b:s1+s3], $0x80, v4, vm0, $0xb8;
	[tilespmem:$0x8080] =	vst v63  }
0x6c: {  	_ = 	snop  }
0x6d: {  	[tilespmem:s30], [sflag:$0x1] =	stream.indirect_vreg.gather [hbm4b:s1+s3], $0x80, v3, vm0, $0xb8;
	[tilespmem:$0x8080] =	vst v63  }
0x6e: {  	_ =	swait.ge [sflag:s31], $0x8000  }
0x6f: {  	[sflag:s31] =	ssyncset.done $0x0  }
0x70: {  	[sflag:s31] =	ssyncadd.s32 $0xFFFF8000  }
0x71: {  	[hbm4b:s5+s3] =	stream.linear.scatter [tilespmem:s14], [sflag:$0x2], $0x8000, $0x38;
	[tilespmem:$0x8080] =	vst v63  }
0x72: {  	_ =	swait.ge [sflag:s13], $0x8000  }
0x73: {  	[sflag:s13] =	ssyncset.done $0x0  }
0x74: {  	[sflag:s13] =	ssyncadd.s32 $0xFFFF8000  }
0x75: {  	[tilespmem:s3], [sflag:$0x2] =	stream.linear.gather [hbm4b:s6+s3], $0x80, $0x38;
	[tilespmem:$0x8080] =	vst v63  }
0x76: {  	_ =	swait.ge [sflag:s13], $0x80  }
0x77: {  	[sflag:s13] =	ssyncset.done $0x0  }
0x78: {  	[sflag:s13] =	ssyncadd.s32 $0xFFFFFF80  }
0x79: {  	v3 =	vld [tilespmem:$0x0];
	_ =	sdelay $0x4  }
0x7a: {  	v40 =	vshll.u32 v3, $0x1  }
0x7b: {  	v3 =	vand.u32 $0x7, v3;
	v4 =	vand.u32 $0xFFFFFFF0, v40  }
0x7c: {  	v3 =	vor.u32 v3, v4  }
0x7d: {  	v4 =	vperm.xlane v3, v0;
	_ =	sdelay $0x1  }
0x7e: {  	v3 =	vperm.xlane v3, v2;
	v4 =	vadd.s32 v1, v4;
	_ =	sdelay $0x1  }
0x7f: {  	v3 =	vadd.s32 v1, v3;
	_ =	sdelay $0x2  }
0x80: {  	[tilespmem:s14], [sflag:$0x1] =	stream.indirect_vreg.gather [hbm4b:s1+s3], $0x80, v4, vm0, $0xb8;
	[tilespmem:$0x8080] =	vst v63  }
0x81: {  	_ = 	snop  }
0x82: {  	[tilespmem:s15], [sflag:$0x1] =	stream.indirect_vreg.gather [hbm4b:s1+s3], $0x80, v3, vm0, $0xb8;
	[tilespmem:$0x8080] =	vst v63  }
0x83: {  	v3 =	vld [tilespmem:$0x10];
	_ =	sdelay $0x4  }
0x84: {  	v41 =	vshll.u32 v3, $0x1  }
0x85: {  	v3 =	vand.u32 $0x7, v3;
	v4 =	vand.u32 $0xFFFFFFF0, v41  }
0x86: {  	v3 =	vor.u32 v3, v4  }
0x87: {  	v4 =	vperm.xlane v3, v0;
	_ =	sdelay $0x1  }
0x88: {  	v3 =	vperm.xlane v3, v2;
	v4 =	vadd.s32 v1, v4;
	_ =	sdelay $0x1  }
0x89: {  	v3 =	vadd.s32 v1, v3;
	_ =	sdelay $0x2  }
0x8a: {  	[tilespmem:s16], [sflag:$0x1] =	stream.indirect_vreg.gather [hbm4b:s1+s3], $0x80, v4, vm0, $0xb8;
	[tilespmem:$0x8080] =	vst v63  }
0x8b: {  	_ = 	snop  }
0x8c: {  	[tilespmem:s17], [sflag:$0x1] =	stream.indirect_vreg.gather [hbm4b:s1+s3], $0x80, v3, vm0, $0xb8;
	[tilespmem:$0x8080] =	vst v63  }
0x8d: {  	v3 =	vld [tilespmem:$0x20];
	_ =	sdelay $0x4  }
0x8e: {  	v42 =	vshll.u32 v3, $0x1  }
0x8f: {  	v3 =	vand.u32 $0x7, v3;
	v4 =	vand.u32 $0xFFFFFFF0, v42  }
0x90: {  	v3 =	vor.u32 v3, v4  }
0x91: {  	v4 =	vperm.xlane v3, v0;
	_ =	sdelay $0x1  }
0x92: {  	v3 =	vperm.xlane v3, v2;
	v4 =	vadd.s32 v1, v4;
	_ =	sdelay $0x1  }
0x93: {  	v3 =	vadd.s32 v1, v3;
	_ =	sdelay $0x2  }
0x94: {  	[tilespmem:s18], [sflag:$0x1] =	stream.indirect_vreg.gather [hbm4b:s1+s3], $0x80, v4, vm0, $0xb8;
	[tilespmem:$0x8080] =	vst v63  }
0x95: {  	_ = 	snop  }
0x96: {  	[tilespmem:s19], [sflag:$0x1] =	stream.indirect_vreg.gather [hbm4b:s1+s3], $0x80, v3, vm0, $0xb8;
	[tilespmem:$0x8080] =	vst v63  }
0x97: {  	v3 =	vld [tilespmem:$0x30];
	_ =	sdelay $0x4  }
0x98: {  	v43 =	vshll.u32 v3, $0x1  }
0x99: {  	v3 =	vand.u32 $0x7, v3;
	v4 =	vand.u32 $0xFFFFFFF0, v43  }
0x9a: {  	v3 =	vor.u32 v3, v4  }
0x9b: {  	v4 =	vperm.xlane v3, v0;
	_ =	sdelay $0x1  }
0x9c: {  	v3 =	vperm.xlane v3, v2;
	v4 =	vadd.s32 v1, v4;
	_ =	sdelay $0x1  }
0x9d: {  	v3 =	vadd.s32 v1, v3;
	_ =	sdelay $0x2  }
0x9e: {  	[tilespmem:s20], [sflag:$0x1] =	stream.indirect_vreg.gather [hbm4b:s1+s3], $0x80, v4, vm0, $0xb8;
	[tilespmem:$0x8080] =	vst v63  }
0x9f: {  	_ = 	snop  }
0xa0: {  	[tilespmem:s21], [sflag:$0x1] =	stream.indirect_vreg.gather [hbm4b:s1+s3], $0x80, v3, vm0, $0xb8;
	[tilespmem:$0x8080] =	vst v63  }
0xa1: {  	v3 =	vld [tilespmem:$0x40];
	_ =	sdelay $0x4  }
0xa2: {  	v44 =	vshll.u32 v3, $0x1  }
0xa3: {  	v3 =	vand.u32 $0x7, v3;
	v4 =	vand.u32 $0xFFFFFFF0, v44  }
0xa4: {  	v3 =	vor.u32 v3, v4  }
0xa5: {  	v4 =	vperm.xlane v3, v0;
	_ =	sdelay $0x1  }
0xa6: {  	v3 =	vperm.xlane v3, v2;
	v4 =	vadd.s32 v1, v4;
	_ =	sdelay $0x1  }
0xa7: {  	v3 =	vadd.s32 v1, v3;
	_ =	sdelay $0x2  }
0xa8: {  	[tilespmem:s22], [sflag:$0x1] =	stream.indirect_vreg.gather [hbm4b:s1+s3], $0x80, v4, vm0, $0xb8;
	[tilespmem:$0x8080] =	vst v63  }
0xa9: {  	_ = 	snop  }
0xaa: {  	[tilespmem:s23], [sflag:$0x1] =	stream.indirect_vreg.gather [hbm4b:s1+s3], $0x80, v3, vm0, $0xb8;
	[tilespmem:$0x8080] =	vst v63  }
0xab: {  	v3 =	vld [tilespmem:$0x50];
	_ =	sdelay $0x4  }
0xac: {  	v45 =	vshll.u32 v3, $0x1  }
0xad: {  	v3 =	vand.u32 $0x7, v3;
	v4 =	vand.u32 $0xFFFFFFF0, v45  }
0xae: {  	v3 =	vor.u32 v3, v4  }
0xaf: {  	v4 =	vperm.xlane v3, v0;
	_ =	sdelay $0x1  }
0xb0: {  	v3 =	vperm.xlane v3, v2;
	v4 =	vadd.s32 v1, v4;
	_ =	sdelay $0x1  }
0xb1: {  	v3 =	vadd.s32 v1, v3;
	_ =	sdelay $0x2  }
0xb2: {  	[tilespmem:s24], [sflag:$0x1] =	stream.indirect_vreg.gather [hbm4b:s1+s3], $0x80, v4, vm0, $0xb8;
	[tilespmem:$0x8080] =	vst v63  }
0xb3: {  	_ = 	snop  }
0xb4: {  	[tilespmem:s25], [sflag:$0x1] =	stream.indirect_vreg.gather [hbm4b:s1+s3], $0x80, v3, vm0, $0xb8;
	[tilespmem:$0x8080] =	vst v63  }
0xb5: {  	v3 =	vld [tilespmem:$0x60];
	_ =	sdelay $0x4  }
0xb6: {  	v46 =	vshll.u32 v3, $0x1  }
0xb7: {  	v3 =	vand.u32 $0x7, v3;
	v4 =	vand.u32 $0xFFFFFFF0, v46  }
0xb8: {  	v3 =	vor.u32 v3, v4  }
0xb9: {  	v4 =	vperm.xlane v3, v0;
	_ =	sdelay $0x1  }
0xba: {  	v3 =	vperm.xlane v3, v2;
	v4 =	vadd.s32 v1, v4;
	_ =	sdelay $0x1  }
0xbb: {  	v3 =	vadd.s32 v1, v3;
	_ =	sdelay $0x2  }
0xbc: {  	[tilespmem:s26], [sflag:$0x1] =	stream.indirect_vreg.gather [hbm4b:s1+s3], $0x80, v4, vm0, $0xb8;
	[tilespmem:$0x8080] =	vst v63  }
0xbd: {  	_ = 	snop  }
0xbe: {  	[tilespmem:s28], [sflag:$0x1] =	stream.indirect_vreg.gather [hbm4b:s1+s3], $0x80, v3, vm0, $0xb8;
	[tilespmem:$0x8080] =	vst v63  }
0xbf: {  	v3 =	vld [tilespmem:$0x70];
	_ =	sdelay $0x4  }
0xc0: {  	v47 =	vshll.u32 v3, $0x1  }
0xc1: {  	v3 =	vand.u32 $0x7, v3;
	v4 =	vand.u32 $0xFFFFFFF0, v47  }
0xc2: {  	v3 =	vor.u32 v3, v4  }
0xc3: {  	v4 =	vperm.xlane v3, v0;
	_ =	sdelay $0x1  }
0xc4: {  	v3 =	vperm.xlane v3, v2;
	v4 =	vadd.s32 v1, v4;
	_ =	sdelay $0x1  }
0xc5: {  	v3 =	vadd.s32 v1, v3;
	_ =	sdelay $0x2  }
0xc6: {  	[tilespmem:s29], [sflag:$0x1] =	stream.indirect_vreg.gather [hbm4b:s1+s3], $0x80, v4, vm0, $0xb8;
	[tilespmem:$0x8080] =	vst v63  }
0xc7: {  	_ = 	snop  }
0xc8: {  	[tilespmem:s30], [sflag:$0x1] =	stream.indirect_vreg.gather [hbm4b:s1+s3], $0x80, v3, vm0, $0xb8;
	[tilespmem:$0x8080] =	vst v63  }
0xc9: {  	_ =	swait.ge [sflag:s31], $0x8000  }
0xca: {  	[sflag:s31] =	ssyncset.done $0x0  }
0xcb: {  	[sflag:s31] =	ssyncadd.s32 $0xFFFF8000  }
0xcc: {  	[hbm4b:s7+s3] =	stream.linear.scatter [tilespmem:s14], [sflag:$0x2], $0x8000, $0x38;
	[tilespmem:$0x8080] =	vst v63  }
0xcd: {  	_ =	swait.ge [sflag:s13], $0x8000  }
0xce: {  	[sflag:s13] =	ssyncset.done $0x0  }
0xcf: {  	[sflag:s13] =	ssyncadd.s32 $0xFFFF8000  }
0xd0: {  	[tilespmem:s3], [sflag:$0x2] =	stream.linear.gather [hbm4b:s8+s3], $0x80, $0x38;
	[tilespmem:$0x8080] =	vst v63  }
0xd1: {  	_ =	swait.ge [sflag:s13], $0x80  }
0xd2: {  	[sflag:s13] =	ssyncset.done $0x0  }
0xd3: {  	[sflag:s13] =	ssyncadd.s32 $0xFFFFFF80  }
0xd4: {  	v3 =	vld [tilespmem:$0x0];
	_ =	sdelay $0x4  }
0xd5: {  	v48 =	vshll.u32 v3, $0x1  }
0xd6: {  	v3 =	vand.u32 $0x7, v3;
	v4 =	vand.u32 $0xFFFFFFF0, v48  }
0xd7: {  	v3 =	vor.u32 v3, v4  }
0xd8: {  	v4 =	vperm.xlane v3, v0;
	_ =	sdelay $0x1  }
0xd9: {  	v3 =	vperm.xlane v3, v2;
	v4 =	vadd.s32 v1, v4;
	_ =	sdelay $0x1  }
0xda: {  	v3 =	vadd.s32 v1, v3;
	_ =	sdelay $0x2  }
0xdb: {  	[tilespmem:s14], [sflag:$0x1] =	stream.indirect_vreg.gather [hbm4b:s1+s3], $0x80, v4, vm0, $0xb8;
	[tilespmem:$0x8080] =	vst v63  }
0xdc: {  	_ = 	snop  }
0xdd: {  	[tilespmem:s15], [sflag:$0x1] =	stream.indirect_vreg.gather [hbm4b:s1+s3], $0x80, v3, vm0, $0xb8;
	[tilespmem:$0x8080] =	vst v63  }
0xde: {  	v3 =	vld [tilespmem:$0x10];
	_ =	sdelay $0x4  }
0xdf: {  	v49 =	vshll.u32 v3, $0x1  }
0xe0: {  	v3 =	vand.u32 $0x7, v3;
	v4 =	vand.u32 $0xFFFFFFF0, v49  }
0xe1: {  	v3 =	vor.u32 v3, v4  }
0xe2: {  	v4 =	vperm.xlane v3, v0;
	_ =	sdelay $0x1  }
0xe3: {  	v3 =	vperm.xlane v3, v2;
	v4 =	vadd.s32 v1, v4;
	_ =	sdelay $0x1  }
0xe4: {  	v3 =	vadd.s32 v1, v3;
	_ =	sdelay $0x2  }
0xe5: {  	[tilespmem:s16], [sflag:$0x1] =	stream.indirect_vreg.gather [hbm4b:s1+s3], $0x80, v4, vm0, $0xb8;
	[tilespmem:$0x8080] =	vst v63  }
0xe6: {  	_ = 	snop  }
0xe7: {  	[tilespmem:s17], [sflag:$0x1] =	stream.indirect_vreg.gather [hbm4b:s1+s3], $0x80, v3, vm0, $0xb8;
	[tilespmem:$0x8080] =	vst v63  }
0xe8: {  	v3 =	vld [tilespmem:$0x20];
	_ =	sdelay $0x4  }
0xe9: {  	v50 =	vshll.u32 v3, $0x1  }
0xea: {  	v3 =	vand.u32 $0x7, v3;
	v4 =	vand.u32 $0xFFFFFFF0, v50  }
0xeb: {  	v3 =	vor.u32 v3, v4  }
0xec: {  	v4 =	vperm.xlane v3, v0;
	_ =	sdelay $0x1  }
0xed: {  	v3 =	vperm.xlane v3, v2;
	v4 =	vadd.s32 v1, v4;
	_ =	sdelay $0x1  }
0xee: {  	v3 =	vadd.s32 v1, v3;
	_ =	sdelay $0x2  }
0xef: {  	[tilespmem:s18], [sflag:$0x1] =	stream.indirect_vreg.gather [hbm4b:s1+s3], $0x80, v4, vm0, $0xb8;
	[tilespmem:$0x8080] =	vst v63  }
0xf0: {  	_ = 	snop  }
0xf1: {  	[tilespmem:s19], [sflag:$0x1] =	stream.indirect_vreg.gather [hbm4b:s1+s3], $0x80, v3, vm0, $0xb8;
	[tilespmem:$0x8080] =	vst v63  }
0xf2: {  	v3 =	vld [tilespmem:$0x30];
	_ =	sdelay $0x4  }
0xf3: {  	v51 =	vshll.u32 v3, $0x1  }
0xf4: {  	v3 =	vand.u32 $0x7, v3;
	v4 =	vand.u32 $0xFFFFFFF0, v51  }
0xf5: {  	v3 =	vor.u32 v3, v4  }
0xf6: {  	v4 =	vperm.xlane v3, v0;
	_ =	sdelay $0x1  }
0xf7: {  	v3 =	vperm.xlane v3, v2;
	v4 =	vadd.s32 v1, v4;
	_ =	sdelay $0x1  }
0xf8: {  	v3 =	vadd.s32 v1, v3;
	_ =	sdelay $0x2  }
0xf9: {  	[tilespmem:s20], [sflag:$0x1] =	stream.indirect_vreg.gather [hbm4b:s1+s3], $0x80, v4, vm0, $0xb8;
	[tilespmem:$0x8080] =	vst v63  }
0xfa: {  	_ = 	snop  }
0xfb: {  	[tilespmem:s21], [sflag:$0x1] =	stream.indirect_vreg.gather [hbm4b:s1+s3], $0x80, v3, vm0, $0xb8;
	[tilespmem:$0x8080] =	vst v63  }
0xfc: {  	v3 =	vld [tilespmem:$0x40];
	_ =	sdelay $0x4  }
0xfd: {  	v52 =	vshll.u32 v3, $0x1  }
0xfe: {  	v3 =	vand.u32 $0x7, v3;
	v4 =	vand.u32 $0xFFFFFFF0, v52  }
0xff: {  	v3 =	vor.u32 v3, v4  }
0x100: {  	v4 =	vperm.xlane v3, v0;
	_ =	sdelay $0x1  }
0x101: {  	v3 =	vperm.xlane v3, v2;
	v4 =	vadd.s32 v1, v4;
	_ =	sdelay $0x1  }
0x102: {  	v3 =	vadd.s32 v1, v3;
	_ =	sdelay $0x2  }
0x103: {  	[tilespmem:s22], [sflag:$0x1] =	stream.indirect_vreg.gather [hbm4b:s1+s3], $0x80, v4, vm0, $0xb8;
	[tilespmem:$0x8080] =	vst v63  }
0x104: {  	_ = 	snop  }
0x105: {  	[tilespmem:s23], [sflag:$0x1] =	stream.indirect_vreg.gather [hbm4b:s1+s3], $0x80, v3, vm0, $0xb8;
	[tilespmem:$0x8080] =	vst v63  }
0x106: {  	v3 =	vld [tilespmem:$0x50];
	_ =	sdelay $0x4  }
0x107: {  	v53 =	vshll.u32 v3, $0x1  }
0x108: {  	v3 =	vand.u32 $0x7, v3;
	v4 =	vand.u32 $0xFFFFFFF0, v53  }
0x109: {  	v3 =	vor.u32 v3, v4  }
0x10a: {  	v4 =	vperm.xlane v3, v0;
	_ =	sdelay $0x1  }
0x10b: {  	v3 =	vperm.xlane v3, v2;
	v4 =	vadd.s32 v1, v4;
	_ =	sdelay $0x1  }
0x10c: {  	v3 =	vadd.s32 v1, v3;
	_ =	sdelay $0x2  }
0x10d: {  	[tilespmem:s24], [sflag:$0x1] =	stream.indirect_vreg.gather [hbm4b:s1+s3], $0x80, v4, vm0, $0xb8;
	[tilespmem:$0x8080] =	vst v63  }
0x10e: {  	_ = 	snop  }
0x10f: {  	[tilespmem:s25], [sflag:$0x1] =	stream.indirect_vreg.gather [hbm4b:s1+s3], $0x80, v3, vm0, $0xb8;
	[tilespmem:$0x8080] =	vst v63  }
0x110: {  	v3 =	vld [tilespmem:$0x60];
	_ =	sdelay $0x4  }
0x111: {  	v54 =	vshll.u32 v3, $0x1  }
0x112: {  	v3 =	vand.u32 $0x7, v3;
	v4 =	vand.u32 $0xFFFFFFF0, v54  }
0x113: {  	v3 =	vor.u32 v3, v4  }
0x114: {  	v4 =	vperm.xlane v3, v0;
	_ =	sdelay $0x1  }
0x115: {  	v3 =	vperm.xlane v3, v2;
	v4 =	vadd.s32 v1, v4;
	_ =	sdelay $0x1  }
0x116: {  	v3 =	vadd.s32 v1, v3;
	_ =	sdelay $0x2  }
0x117: {  	[tilespmem:s26], [sflag:$0x1] =	stream.indirect_vreg.gather [hbm4b:s1+s3], $0x80, v4, vm0, $0xb8;
	[tilespmem:$0x8080] =	vst v63  }
0x118: {  	_ = 	snop  }
0x119: {  	[tilespmem:s28], [sflag:$0x1] =	stream.indirect_vreg.gather [hbm4b:s1+s3], $0x80, v3, vm0, $0xb8;
	[tilespmem:$0x8080] =	vst v63  }
0x11a: {  	v3 =	vld [tilespmem:$0x70];
	_ =	sdelay $0x4  }
0x11b: {  	v55 =	vshll.u32 v3, $0x1  }
0x11c: {  	v3 =	vand.u32 $0x7, v3;
	v4 =	vand.u32 $0xFFFFFFF0, v55  }
0x11d: {  	v3 =	vor.u32 v3, v4  }
0x11e: {  	v4 =	vperm.xlane v3, v0;
	_ =	sdelay $0x1  }
0x11f: {  	v3 =	vperm.xlane v3, v2;
	v4 =	vadd.s32 v1, v4;
	_ =	sdelay $0x1  }
0x120: {  	v3 =	vadd.s32 v1, v3;
	_ =	sdelay $0x2  }
0x121: {  	[tilespmem:s29], [sflag:$0x1] =	stream.indirect_vreg.gather [hbm4b:s1+s3], $0x80, v4, vm0, $0xb8;
	[tilespmem:$0x8080] =	vst v63  }
0x122: {  	_ = 	snop  }
0x123: {  	[tilespmem:s30], [sflag:$0x1] =	stream.indirect_vreg.gather [hbm4b:s1+s3], $0x80, v3, vm0, $0xb8;
	[tilespmem:$0x8080] =	vst v63  }
0x124: {  	_ =	swait.ge [sflag:s31], $0x8000  }
0x125: {  	[sflag:s31] =	ssyncset.done $0x0  }
0x126: {  	[sflag:s31] =	ssyncadd.s32 $0xFFFF8000  }
0x127: {  	[hbm4b:s9+s3] =	stream.linear.scatter [tilespmem:s14], [sflag:$0x2], $0x8000, $0x38;
	[tilespmem:$0x8080] =	vst v63  }
0x128: {  	_ =	swait.ge [sflag:s13], $0x8000  }
0x129: {  	[sflag:s13] =	ssyncset.done $0x0  }
0x12a: {  	[sflag:s13] =	ssyncadd.s32 $0xFFFF8000  }
0x12b: {  	[tilespmem:s3], [sflag:$0x2] =	stream.linear.gather [hbm4b:s10+s3], $0x80, $0x38;
	[tilespmem:$0x8080] =	vst v63  }
0x12c: {  	_ =	swait.ge [sflag:s13], $0x80  }
0x12d: {  	[sflag:s13] =	ssyncset.done $0x0  }
0x12e: {  	[sflag:s13] =	ssyncadd.s32 $0xFFFFFF80  }
0x12f: {  	v3 =	vld [tilespmem:$0x0];
	_ =	sdelay $0x4  }
0x130: {  	v56 =	vshll.u32 v3, $0x1  }
0x131: {  	v3 =	vand.u32 $0x7, v3;
	v4 =	vand.u32 $0xFFFFFFF0, v56  }
0x132: {  	v3 =	vor.u32 v3, v4  }
0x133: {  	v4 =	vperm.xlane v3, v0;
	_ =	sdelay $0x1  }
0x134: {  	v3 =	vperm.xlane v3, v2;
	v4 =	vadd.s32 v1, v4;
	_ =	sdelay $0x1  }
0x135: {  	v3 =	vadd.s32 v1, v3;
	_ =	sdelay $0x2  }
0x136: {  	[tilespmem:s14], [sflag:$0x1] =	stream.indirect_vreg.gather [hbm4b:s1+s3], $0x80, v4, vm0, $0xb8;
	[tilespmem:$0x8080] =	vst v63  }
0x137: {  	_ = 	snop  }
0x138: {  	[tilespmem:s15], [sflag:$0x1] =	stream.indirect_vreg.gather [hbm4b:s1+s3], $0x80, v3, vm0, $0xb8;
	[tilespmem:$0x8080] =	vst v63  }
0x139: {  	v3 =	vld [tilespmem:$0x10];
	_ =	sdelay $0x4  }
0x13a: {  	v57 =	vshll.u32 v3, $0x1  }
0x13b: {  	v3 =	vand.u32 $0x7, v3;
	v4 =	vand.u32 $0xFFFFFFF0, v57  }
0x13c: {  	v3 =	vor.u32 v3, v4  }
0x13d: {  	v4 =	vperm.xlane v3, v0;
	_ =	sdelay $0x1  }
0x13e: {  	v3 =	vperm.xlane v3, v2;
	v4 =	vadd.s32 v1, v4;
	_ =	sdelay $0x1  }
0x13f: {  	v3 =	vadd.s32 v1, v3;
	_ =	sdelay $0x2  }
0x140: {  	[tilespmem:s16], [sflag:$0x1] =	stream.indirect_vreg.gather [hbm4b:s1+s3], $0x80, v4, vm0, $0xb8;
	[tilespmem:$0x8080] =	vst v63  }
0x141: {  	_ = 	snop  }
0x142: {  	[tilespmem:s17], [sflag:$0x1] =	stream.indirect_vreg.gather [hbm4b:s1+s3], $0x80, v3, vm0, $0xb8;
	[tilespmem:$0x8080] =	vst v63  }
0x143: {  	v3 =	vld [tilespmem:$0x20];
	_ =	sdelay $0x4  }
0x144: {  	v58 =	vshll.u32 v3, $0x1  }
0x145: {  	v3 =	vand.u32 $0x7, v3;
	v4 =	vand.u32 $0xFFFFFFF0, v58  }
0x146: {  	v3 =	vor.u32 v3, v4  }
0x147: {  	v4 =	vperm.xlane v3, v0;
	_ =	sdelay $0x1  }
0x148: {  	v3 =	vperm.xlane v3, v2;
	v4 =	vadd.s32 v1, v4;
	_ =	sdelay $0x1  }
0x149: {  	v3 =	vadd.s32 v1, v3;
	_ =	sdelay $0x2  }
0x14a: {  	[tilespmem:s18], [sflag:$0x1] =	stream.indirect_vreg.gather [hbm4b:s1+s3], $0x80, v4, vm0, $0xb8;
	[tilespmem:$0x8080] =	vst v63  }
0x14b: {  	_ = 	snop  }
0x14c: {  	[tilespmem:s19], [sflag:$0x1] =	stream.indirect_vreg.gather [hbm4b:s1+s3], $0x80, v3, vm0, $0xb8;
	[tilespmem:$0x8080] =	vst v63  }
0x14d: {  	v3 =	vld [tilespmem:$0x30];
	_ =	sdelay $0x4  }
0x14e: {  	v59 =	vshll.u32 v3, $0x1  }
0x14f: {  	v3 =	vand.u32 $0x7, v3;
	v4 =	vand.u32 $0xFFFFFFF0, v59  }
0x150: {  	v3 =	vor.u32 v3, v4  }
0x151: {  	v4 =	vperm.xlane v3, v0;
	_ =	sdelay $0x1  }
0x152: {  	v3 =	vperm.xlane v3, v2;
	v4 =	vadd.s32 v1, v4;
	_ =	sdelay $0x1  }
0x153: {  	v3 =	vadd.s32 v1, v3;
	_ =	sdelay $0x2  }
0x154: {  	[tilespmem:s20], [sflag:$0x1] =	stream.indirect_vreg.gather [hbm4b:s1+s3], $0x80, v4, vm0, $0xb8;
	[tilespmem:$0x8080] =	vst v63  }
0x155: {  	_ = 	snop  }
0x156: {  	[tilespmem:s21], [sflag:$0x1] =	stream.indirect_vreg.gather [hbm4b:s1+s3], $0x80, v3, vm0, $0xb8;
	[tilespmem:$0x8080] =	vst v63  }
0x157: {  	v3 =	vld [tilespmem:$0x40];
	_ =	sdelay $0x4  }
0x158: {  	v60 =	vshll.u32 v3, $0x1  }
0x159: {  	v3 =	vand.u32 $0x7, v3;
	v4 =	vand.u32 $0xFFFFFFF0, v60  }
0x15a: {  	v3 =	vor.u32 v3, v4  }
0x15b: {  	v4 =	vperm.xlane v3, v0;
	_ =	sdelay $0x1  }
0x15c: {  	v3 =	vperm.xlane v3, v2;
	v4 =	vadd.s32 v1, v4;
	_ =	sdelay $0x1  }
0x15d: {  	v3 =	vadd.s32 v1, v3;
	_ =	sdelay $0x2  }
0x15e: {  	[tilespmem:s22], [sflag:$0x1] =	stream.indirect_vreg.gather [hbm4b:s1+s3], $0x80, v4, vm0, $0xb8;
	[tilespmem:$0x8080] =	vst v63  }
0x15f: {  	_ = 	snop  }
0x160: {  	[tilespmem:s23], [sflag:$0x1] =	stream.indirect_vreg.gather [hbm4b:s1+s3], $0x80, v3, vm0, $0xb8;
	[tilespmem:$0x8080] =	vst v63  }
0x161: {  	v3 =	vld [tilespmem:$0x50];
	_ =	sdelay $0x4  }
0x162: {  	v61 =	vshll.u32 v3, $0x1  }
0x163: {  	v3 =	vand.u32 $0x7, v3;
	v4 =	vand.u32 $0xFFFFFFF0, v61  }
0x164: {  	v3 =	vor.u32 v3, v4  }
0x165: {  	v4 =	vperm.xlane v3, v0;
	_ =	sdelay $0x1  }
0x166: {  	v3 =	vperm.xlane v3, v2;
	v4 =	vadd.s32 v1, v4;
	_ =	sdelay $0x1  }
0x167: {  	v3 =	vadd.s32 v1, v3;
	_ =	sdelay $0x2  }
0x168: {  	[tilespmem:s24], [sflag:$0x1] =	stream.indirect_vreg.gather [hbm4b:s1+s3], $0x80, v4, vm0, $0xb8;
	[tilespmem:$0x8080] =	vst v63  }
0x169: {  	_ = 	snop  }
0x16a: {  	[tilespmem:s25], [sflag:$0x1] =	stream.indirect_vreg.gather [hbm4b:s1+s3], $0x80, v3, vm0, $0xb8;
	[tilespmem:$0x8080] =	vst v63  }
0x16b: {  	v3 =	vld [tilespmem:$0x60];
	_ =	sdelay $0x4  }
0x16c: {  	v62 =	vshll.u32 v3, $0x1  }
0x16d: {  	v3 =	vand.u32 $0x7, v3;
	v4 =	vand.u32 $0xFFFFFFF0, v62  }
0x16e: {  	v3 =	vor.u32 v3, v4  }
0x16f: {  	v4 =	vperm.xlane v3, v0;
	_ =	sdelay $0x1  }
0x170: {  	v3 =	vperm.xlane v3, v2;
	v4 =	vadd.s32 v1, v4;
	_ =	sdelay $0x1  }
0x171: {  	v3 =	vadd.s32 v1, v3;
	_ =	sdelay $0x2  }
0x172: {  	[tilespmem:s26], [sflag:$0x1] =	stream.indirect_vreg.gather [hbm4b:s1+s3], $0x80, v4, vm0, $0xb8;
	[tilespmem:$0x8080] =	vst v63  }
0x173: {  	_ = 	snop  }
0x174: {  	[tilespmem:s28], [sflag:$0x1] =	stream.indirect_vreg.gather [hbm4b:s1+s3], $0x80, v3, vm0, $0xb8;
	[tilespmem:$0x8080] =	vst v63  }
0x175: {  	v3 =	vld [tilespmem:$0x70];
	_ =	sdelay $0x4  }
0x176: {  	v63 =	vshll.u32 v3, $0x1  }
0x177: {  	v3 =	vand.u32 $0x7, v3;
	v4 =	vand.u32 $0xFFFFFFF0, v63  }
0x178: {  	v3 =	vor.u32 v3, v4  }
0x179: {  	v4 =	vperm.xlane v3, v0;
	_ =	sdelay $0x1  }
0x17a: {  	v3 =	vperm.xlane v3, v2;
	v4 =	vadd.s32 v1, v4;
	_ =	sdelay $0x1  }
0x17b: {  	v3 =	vadd.s32 v1, v3;
	_ =	sdelay $0x2  }
0x17c: {  	[tilespmem:s29], [sflag:$0x1] =	stream.indirect_vreg.gather [hbm4b:s1+s3], $0x80, v4, vm0, $0xb8;
	[tilespmem:$0x8080] =	vst v63  }
0x17d: {  	_ = 	snop  }
0x17e: {  	[tilespmem:s30], [sflag:$0x1] =	stream.indirect_vreg.gather [hbm4b:s1+s3], $0x80, v3, vm0, $0xb8;
	[tilespmem:$0x8080] =	vst v63  }
0x17f: {  	_ =	swait.ge [sflag:s31], $0x8000  }
0x180: {  	p0 =	sne.s32 s12, $0x1;
	[sflag:s31] =	ssyncset.done $0x0  }
.Ltmp0:
0x181: {  	[sflag:s31] =	ssyncadd.s32 $0xFFFF8000;
	(pc) =	sbr.rel @p0 .LBB2_1-.Ltmp0, $4  }
0x182: {  	[hbm4b:s11+s3] =	stream.linear.scatter [tilespmem:s14], [sflag:$0x2], $0x8000, $0x38;
	[tilespmem:$0x8080] =	vst v63  }
0x183: {  	_ =	swait.ge [sflag:s13], $0x8000  }
0x184: {  	[sflag:s13] =	ssyncset.done $0x0  }
0x185: {  	s12 =	sadd.s32 $0xFFFFFFFF, s12;
	[sflag:s13] =	ssyncadd.s32 $0xFFFF8000  }
0x186: {  	_ =	sfence.sel $0x180000  }
0x187: {  	[bflag:$0x0] =	sbarrier.arrive $0xFFFF  }
0x188: {  	p0 =	sne.s32 s2, $0x0;
	_ =	strace $0x90000047  }
0x189: {  	s0 =	sadd.s32 @!p0 $0x100000, s0;
	[bflag:$0x2] =	sbarrier.arrive $0xFFFF  }
0x18a: {  	[sflag:s0] =	ssyncadd.tile.s32 @!p0 $0x1;
	_ =	shalt  }
.Lfunc_end2:
_tile_overlayer_lowered:
.L_overlay_start_2:
0x18b: {  	(tag) =	ssettag $0x2  }
0x18c: {  	s0 =	rddreg [dreg:$0x0];
	s2 =	stileid.u32  }
0x18d: {  	s1 =	rddreg [dreg:$0x1];
	p0 =	sne.s32 s2, $0x0  }
0x18e: {  	s3 =	rddreg [dreg:$0x2];
	[bflag:$0x3] =	sbarrier.arrive $0xFFFF;
	s2 =	simm.s32 @!p0 $0x1C02  }
0x18f: {  	[timem:s3], [sflag:s2] =	dma.local @!p0 [hbm:s0], s1  }
0x190: {  	s0 =	simm.s32 @!p0 $0x2  }
0x191: {  	_ =	swait.ge @!p0 [sflag:s0], s1  }
0x192: {  	s1 =	ssub.s32 @!p0 $0x0, s1;
	[sflag:s0] =	ssyncset.done @!p0 $0x0  }
0x193: {  	[sflag:s0] =	ssyncadd.s32 @!p0 s1  }
0x194: {  	[bflag:$0x3] =	sbarrier.arrive $0xFFFF  }
0x195: {  	_ =	shalt  }

</sc_bundles>
